<compile_context>
chip_gen: v7x
topology: tpu7x:2x2x1
jax: 0.10.2.dev20260603
libtpu: 0.0.44.dev20260713+nightly
codegen_flags: <defaults>
</compile_context>

<pallas_src>
import functools

import jax
import jax.numpy as jnp
from jax import lax
from jax.experimental import pallas as pl
from jax.experimental.pallas import tpu as pltpu
from jax.experimental.pallas import tpu_sc as plsc

N_NEIGH = 16
N_CLASSES = 100
TILE_N = 2048
GRP = 128
NSEL = 24

SC_NC = 2
SC_NS = 16
LANES = 16
N_WORKERS = SC_NC * SC_NS



def _dist_body(n_real, xtest_ref, xtrain_ref, d2_ref, gm_ref):
    t = pl.program_id(0)
    xq = xtest_ref[...]
    xt = xtrain_ref[...]
    q2 = jnp.sum(xq * xq, axis=1, keepdims=True)
    k2 = jnp.sum(xt * xt, axis=1, keepdims=True).T
    mm = lax.dot_general(
        xq, xt,
        dimension_numbers=(((1,), (1,)), ((), ())),
        preferred_element_type=jnp.float32,
    )
    d2 = (q2 + k2) - 2.0 * mm
    col = t * TILE_N + lax.broadcasted_iota(jnp.int32, d2.shape, 1)
    d2 = jnp.where(col < n_real, d2, jnp.float32(jnp.inf))
    gms = []
    for j in range(TILE_N // GRP):
        blk = d2[:, j * GRP:(j + 1) * GRP]
        d2_ref[j] = blk
        gms.append(jnp.min(blk, axis=1, keepdims=True))
    gm_ref[0] = jnp.concatenate(gms, axis=1)


def _distance_matrix(x_train, x_test):
    n, d = x_train.shape
    q = x_test.shape[0]
    n_pad = ((n + TILE_N - 1) // TILE_N) * TILE_N
    if n_pad != n:
        x_train = jnp.pad(x_train, ((0, n_pad - n), (0, 0)))
    grid = n_pad // TILE_N
    g_tile = TILE_N // GRP
    n_grp = n_pad // GRP
    return pl.pallas_call(
        functools.partial(_dist_body, n),
        grid=(grid,),
        in_specs=[
            pl.BlockSpec((q, d), lambda t: (0, 0)),
            pl.BlockSpec((TILE_N, d), lambda t: (t, 0)),
        ],
        out_specs=[
            pl.BlockSpec((g_tile, q, GRP), lambda t: (t, 0, 0)),
            pl.BlockSpec((1, q, g_tile), lambda t: (t, 0, 0)),
        ],
        out_shape=[
            jax.ShapeDtypeStruct((n_grp, q, GRP), jnp.float32),
            jax.ShapeDtypeStruct((grid, q, g_tile), jnp.float32),
        ],
    )(x_test, x_train)



def _select_body(gm_ref, ids_ref, mins_ref):
    g = gm_ref[...]
    col = lax.broadcasted_iota(jnp.int32, g.shape, 1)
    inf = jnp.float32(jnp.inf)
    ids, mins = [], []
    for _ in range(NSEL):
        m = jnp.min(g, axis=1, keepdims=True)
        pick = jnp.where(g == m, col, jnp.int32(2**30))
        idx = jnp.min(pick, axis=1, keepdims=True)
        ids.append(idx)
        mins.append(m)
        g = jnp.where(col == idx, inf, g)
    ids_ref[...] = jnp.concatenate(ids, axis=1)
    mins_ref[...] = jnp.concatenate(mins, axis=1)


def _select_groups(gmins):
    q, n_grp = gmins.shape
    return pl.pallas_call(
        _select_body,
        out_shape=[
            jax.ShapeDtypeStruct((q, NSEL), jnp.int32),
            jax.ShapeDtypeStruct((q, NSEL), jnp.float32),
        ],
    )(gmins)



def _merge16(bd, bi, vd, vi):
    sd, si = plsc.sort_key_val(vd, vi, descending=True)
    sel = sd < bd
    nd = jnp.where(sel, sd, bd)
    ni = jnp.where(sel, si, bi)
    return plsc.sort_key_val(nd, ni)


def _bcast_lane(v, lane):
    idx = jnp.full((LANES,), lane, jnp.int32)
    dn = lax.GatherDimensionNumbers(offset_dims=(), collapsed_slice_dims=(0,),
                                    start_index_map=(0,))
    return lax.gather(v, idx[:, None], dn, (1,),
                      mode=lax.GatherScatterMode.PROMISE_IN_BOUNDS)


def _sc_topk_body(n_q, qpw, d2f_hbm, gids_hbm, selm_hbm, y_hbm, out_hbm,
                  y_ref, gid_ref, selm_ref, grp_ref, res_ref, sem):
    c_id = lax.axis_index("c")
    s_id = lax.axis_index("s")
    wid = s_id * SC_NC + c_id
    q0 = wid * qpw
    iota = lax.iota(jnp.int32, LANES)
    lane0 = iota == 0
    zidx = jnp.zeros((LANES,), jnp.int32)
    inf = jnp.float32(jnp.inf)
    pltpu.sync_copy(y_hbm, y_ref)
    pltpu.sync_copy(gids_hbm.at[pl.ds(q0, qpw)], gid_ref)
    pltpu.sync_copy(selm_hbm.at[pl.ds(q0, qpw)], selm_ref)

    def fire(j, b):
        jv = jnp.full((LANES,), j, jnp.int32)
        g0 = plsc.load_gather(gid_ref, [jv, iota])
        g1 = plsc.load_gather(gid_ref, [jv, iota + 8])
        idx0 = g0 * n_q + (q0 + j)
        idx1 = g1 * n_q + (q0 + j)
        pltpu.async_copy(d2f_hbm.at[idx0], grp_ref.at[b, pl.ds(0, LANES)], sem)
        pltpu.async_copy(d2f_hbm.at[idx1], grp_ref.at[b, pl.ds(8, LANES)], sem)

    fire(0, 0)

    def per_query(i, _):
        b = lax.rem(i, 2)
        pltpu.make_async_copy(d2f_hbm.at[zidx],
                              grp_ref.at[b, pl.ds(0, LANES)], sem).wait()
        pltpu.make_async_copy(d2f_hbm.at[zidx],
                              grp_ref.at[b, pl.ds(8, LANES)], sem).wait()

        @pl.when(i + 1 < qpw)
        def _():
            fire(i + 1, 1 - b)

        iv = jnp.full((LANES,), i, jnp.int32)
        bv = jnp.full((LANES,), b, jnp.int32)

        def per_group(k, carry):
            bd0, bi0, thr0 = carry
            kv = jnp.full((LANES,), k, jnp.int32)
            gmn = jnp.min(plsc.load_gather(selm_ref, [iv, kv]))

            def scan_group(bd, bi, thr):
                gidv = plsc.load_gather(gid_ref, [iv, kv])

                def per_blk(j, carry):
                    bd, bi, thr = carry
                    cols = j * LANES + iota
                    v = plsc.load_gather(grp_ref, [bv, kv, cols])
                    mn = jnp.min(v)

                    def slow(bd, bi, _):
                        vi = gidv * GRP + cols
                        bd, bi = _merge16(bd, bi, v, vi)
                        return bd, bi, jnp.max(bd)

                    return lax.cond(mn < thr, slow,
                                    lambda a, c, t: (a, c, t), bd, bi, thr)

                return lax.fori_loop(0, GRP // LANES, per_blk, (bd, bi, thr))

            return lax.cond(gmn < thr0, scan_group,
                            lambda a, c, t: (a, c, t), bd0, bi0, thr0)

        best_d, best_i, _ = lax.fori_loop(
            0, NSEL, per_group,
            (jnp.full((LANES,), inf), jnp.zeros((LANES,), jnp.int32), inf))

        labels = plsc.load_gather(y_ref, [best_i])
        acc = jnp.zeros((LANES,), jnp.int32)
        for j in range(N_NEIGH):
            bc = _bcast_lane(labels, j)
            acc = acc + jnp.where(labels == bc, 1, 0)
        score = acc * 128 - labels
        mx = jnp.max(score)
        win = jnp.max(jnp.where(score == mx, labels, -1))
        plsc.store_scatter(res_ref, [iv], jnp.full((LANES,), win, jnp.int32),
                           mask=lane0)
        return 0

    lax.fori_loop(0, qpw, per_query, 0)
    pltpu.sync_copy(res_ref, out_hbm.at[pl.ds(q0, qpw)])


def _sc_topk(d2f, gids, selm, y32, n_q):
    q = gids.shape[0]
    qpw = q // N_WORKERS
    mesh = plsc.VectorSubcoreMesh(core_axis_name="c", subcore_axis_name="s",
                                  num_cores=SC_NC, num_subcores=SC_NS)
    fn = pl.kernel(
        functools.partial(_sc_topk_body, n_q, qpw),
        out_type=jax.ShapeDtypeStruct((q,), jnp.int32),
        mesh=mesh,
        scratch_types=[
            pltpu.VMEM((y32.shape[0],), jnp.int32),
            pltpu.VMEM((qpw, NSEL), jnp.int32),
            pltpu.VMEM((qpw, NSEL), jnp.float32),
            pltpu.VMEM((2, NSEL, GRP), jnp.float32),
            pltpu.VMEM((qpw,), jnp.int32),
            pltpu.SemaphoreType.DMA,
        ],
        compiler_params=pltpu.CompilerParams(needs_layout_passes=False),
    )
    return fn(d2f, gids, selm, y32)


def kernel(x_train, y_train, x_test):
    n = x_train.shape[0]
    q = x_test.shape[0]
    d2g, gmins3 = _distance_matrix(x_train, x_test)
    n_grp = d2g.shape[0]
    gmins = jnp.transpose(gmins3, (1, 0, 2)).reshape(q, n_grp)
    gids, selm = _select_groups(gmins)
    d2f = d2g.reshape(n_grp * q, GRP)
    y32 = jnp.pad(y_train.astype(jnp.int32), (0, n_grp * GRP - n))
    y_pred = _sc_topk(d2f, gids, selm, y32, q)
    return y_pred.astype(jnp.int64)

# --- scband reference (transcript-rebuilt; emitter-appended) ---
"""Pipeline reference for scband-knn-22179211117069 (READ-ONLY COPY).

The authoritative reference and input builder live on the scoring server;
editing this copy changes nothing except your own understanding.
"""

import jax, jax.numpy as jnp
import numpy as np

N_NEIGHBORS = 16
NUM_CLASSES = 100

def setup_inputs(seed: int = 0) -> dict:
    key = jax.random.key(seed)
    k1, k2, k3 = jax.random.split(key, 3)
    x_train = jax.random.normal(k1, (100000, 128), dtype=jnp.float32)
    y_train = jax.random.randint(k2, (100000,), 0, NUM_CLASSES, dtype=jnp.int64)
    x_test = jax.random.normal(k3, (1024, 128), dtype=jnp.float32)
    return {"x_train": x_train, "y_train": y_train, "x_test": x_test}

def reference(x_train, y_train, x_test):
    # Brute-force KNN classifier (euclidean), matching sklearn KNeighborsClassifier
    # squared euclidean distances: [Q, N]
    q2 = jnp.sum(x_test * x_test, axis=1, keepdims=True)
    k2 = jnp.sum(x_train * x_train, axis=1)[None, :]
    d2 = q2 + k2 - 2.0 * (x_test @ x_train.T)
    # k nearest = top-k of negative distance
    neg_vals, idx = jax.lax.top_k(-d2, N_NEIGHBORS)  # idx: [Q, k]
    # gather labels of nearest neighbors
    neighbor_labels = jnp.take(y_train, idx, axis=0)  # [Q, k]
    # majority vote via one-hot accumulation (uniform weights)
    onehot = jax.nn.one_hot(neighbor_labels, NUM_CLASSES, dtype=jnp.float32)  # [Q, k, C]
    votes = jnp.sum(onehot, axis=1)  # [Q, C]
    y_pred = jnp.argmax(votes, axis=1).astype(jnp.int64)  # ties -> lowest class, like sklearn mode
    return y_pred

if __name__ == "__main__":
    import jax
    _d = setup_inputs()
    print(jax.jit(kernel)(*tuple(_d.values())))

</pallas_src>

<mosaic_0001>
#map = affine_map<(d0, d1) -> (0, 0)>
#map1 = affine_map<(d0, d1) -> (0)>
module attributes {stable_mosaic.version = 14 : i64} {
  func.func @_sc_topk_body(%arg0: i32, %arg1: i32, %arg2: memref<802816x128xf32, #tpu.memory_space<hbm>>, %arg3: memref<1024x24xi32, #tpu.memory_space<hbm>>, %arg4: memref<1024x24xf32, #tpu.memory_space<hbm>>, %arg5: memref<100352xi32, #tpu.memory_space<hbm>>, %arg6: memref<1024xi32, #tpu.memory_space<hbm>>, %arg7: memref<100352xi32, #tpu.memory_space<vmem>>, %arg8: memref<32x24xi32, #tpu.memory_space<vmem>>, %arg9: memref<32x24xf32, #tpu.memory_space<vmem>>, %arg10: memref<2x24x128xf32, #tpu.memory_space<vmem>>, %arg11: memref<32xi32, #tpu.memory_space<vmem>>, %arg12: memref<!tpu.dma_semaphore, #tpu.memory_space<semaphore_mem>>) attributes {dimension_semantics = [#tpu.dimension_semantics<core_parallel>, #tpu.dimension_semantics<subcore_parallel>], iteration_bounds = array<i64: 2, 16>, scalar_prefetch = 0 : i64, scratch_operands = 6 : i64, tpu.core_type = #tpu.core_type<sc_vector_subcore>, window_params = [{transform_indices = #map}, {transform_indices = #map}, {transform_indices = #map}, {transform_indices = #map1}, {transform_indices = #map1}]} {
    %mul3A = arith.constant 2 : i32
    %mul3A_0 = arith.muli %arg1, %mul3A : i32
    %add3A = arith.addi %mul3A_0, %arg0 : i32
    %mul3A_1 = arith.constant 32 : i32
    %mul3A_2 = arith.muli %add3A, %mul3A_1 : i32
    %iota3A = tpu.iota {dimensions = array<i32: 0>} : vector<16xi32>
    %eq3A = arith.constant 0 : i32
    %eq3A_3 = vector.broadcast %eq3A : i32 to vector<16xi32>
    %eq3A_4 = arith.cmpi eq, %iota3A, %eq3A_3 : vector<16xi32>
    %broadcast_in_dim3A = arith.constant 0 : i32
    %broadcast_in_dim3A_5 = vector.broadcast %broadcast_in_dim3A : i32 to vector<16xi32>
    "tpu.region"() ({
      %run_scoped3A = tpu.sem_alloc : memref<!tpu.dma_semaphore, #tpu.memory_space<semaphore_mem>>
      tpu.enqueue_dma source(%arg5 : memref<100352xi32, #tpu.memory_space<hbm>>) target(%arg7 : memref<100352xi32, #tpu.memory_space<vmem>>) target_semaphore(%run_scoped3A : memref<!tpu.dma_semaphore, #tpu.memory_space<semaphore_mem>>)
      tpu.wait_dma2 semaphore(%run_scoped3A : memref<!tpu.dma_semaphore, #tpu.memory_space<semaphore_mem>>) src(%arg5 : memref<100352xi32, #tpu.memory_space<hbm>>) dst(%arg7 : memref<100352xi32, #tpu.memory_space<vmem>>)
      tpu.yield
    }) : () -> ()
    "tpu.region"() ({
      %run_scoped3A = tpu.sem_alloc : memref<!tpu.dma_semaphore, #tpu.memory_space<semaphore_mem>>
      %dma_start3A_48 = arith.constant 0 : i32
      %dma_start3A_49 = tpu.memref_slice %arg3[%mul3A_2, %dma_start3A_48] : memref<1024x24xi32, #tpu.memory_space<hbm>> -> memref<32x24xi32, #tpu.memory_space<hbm>>
      %dma_start3A_50 = arith.constant 0 : i32
      %dma_start3A_51 = tpu.memref_slice %arg3[%mul3A_2, %dma_start3A_50] : memref<1024x24xi32, #tpu.memory_space<hbm>> -> memref<32x24xi32, #tpu.memory_space<hbm>>
      tpu.enqueue_dma source(%dma_start3A_51 : memref<32x24xi32, #tpu.memory_space<hbm>>) target(%arg8 : memref<32x24xi32, #tpu.memory_space<vmem>>) target_semaphore(%run_scoped3A : memref<!tpu.dma_semaphore, #tpu.memory_space<semaphore_mem>>)
      %dma_wait3A = arith.constant 0 : i32
      %dma_wait3A_52 = tpu.memref_slice %arg3[%mul3A_2, %dma_wait3A] : memref<1024x24xi32, #tpu.memory_space<hbm>> -> memref<32x24xi32, #tpu.memory_space<hbm>>
      %dma_wait3A_53 = arith.constant 0 : i32
      %dma_wait3A_54 = tpu.memref_slice %arg3[%mul3A_2, %dma_wait3A_53] : memref<1024x24xi32, #tpu.memory_space<hbm>> -> memref<32x24xi32, #tpu.memory_space<hbm>>
      tpu.wait_dma2 semaphore(%run_scoped3A : memref<!tpu.dma_semaphore, #tpu.memory_space<semaphore_mem>>) src(%dma_wait3A_54 : memref<32x24xi32, #tpu.memory_space<hbm>>) dst(%arg8 : memref<32x24xi32, #tpu.memory_space<vmem>>)
      tpu.yield
    }) : () -> ()
    "tpu.region"() ({
      %run_scoped3A = tpu.sem_alloc : memref<!tpu.dma_semaphore, #tpu.memory_space<semaphore_mem>>
      %dma_start3A_48 = arith.constant 0 : i32
      %dma_start3A_49 = tpu.memref_slice %arg4[%mul3A_2, %dma_start3A_48] : memref<1024x24xf32, #tpu.memory_space<hbm>> -> memref<32x24xf32, #tpu.memory_space<hbm>>
      %dma_start3A_50 = arith.constant 0 : i32
      %dma_start3A_51 = tpu.memref_slice %arg4[%mul3A_2, %dma_start3A_50] : memref<1024x24xf32, #tpu.memory_space<hbm>> -> memref<32x24xf32, #tpu.memory_space<hbm>>
      tpu.enqueue_dma source(%dma_start3A_51 : memref<32x24xf32, #tpu.memory_space<hbm>>) target(%arg9 : memref<32x24xf32, #tpu.memory_space<vmem>>) target_semaphore(%run_scoped3A : memref<!tpu.dma_semaphore, #tpu.memory_space<semaphore_mem>>)
      %dma_wait3A = arith.constant 0 : i32
      %dma_wait3A_52 = tpu.memref_slice %arg4[%mul3A_2, %dma_wait3A] : memref<1024x24xf32, #tpu.memory_space<hbm>> -> memref<32x24xf32, #tpu.memory_space<hbm>>
      %dma_wait3A_53 = arith.constant 0 : i32
      %dma_wait3A_54 = tpu.memref_slice %arg4[%mul3A_2, %dma_wait3A_53] : memref<1024x24xf32, #tpu.memory_space<hbm>> -> memref<32x24xf32, #tpu.memory_space<hbm>>
      tpu.wait_dma2 semaphore(%run_scoped3A : memref<!tpu.dma_semaphore, #tpu.memory_space<semaphore_mem>>) src(%dma_wait3A_54 : memref<32x24xf32, #tpu.memory_space<hbm>>) dst(%arg9 : memref<32x24xf32, #tpu.memory_space<vmem>>)
      tpu.yield
    }) : () -> ()
    %broadcast_in_dim3A_6 = arith.constant 0 : i32
    %broadcast_in_dim3A_7 = vector.broadcast %broadcast_in_dim3A_6 : i32 to vector<16xi32>
    %gather3A = tpu.vector_load_idx %arg8[%broadcast_in_dim3A_7, %iota3A] : memref<32x24xi32, #tpu.memory_space<vmem>>[vector<16xi32>, vector<16xi32>], vector<16xi32>,
    %add3A_8 = arith.constant 8 : i32
    %add3A_9 = vector.broadcast %add3A_8 : i32 to vector<16xi32>
    %add3A_10 = arith.addi %iota3A, %add3A_9 : vector<16xi32>
    %gather3A_11 = tpu.vector_load_idx %arg8[%broadcast_in_dim3A_7, %add3A_10] : memref<32x24xi32, #tpu.memory_space<vmem>>[vector<16xi32>, vector<16xi32>], vector<16xi32>,
    %mul3A_12 = arith.constant 1024 : i32
    %mul3A_13 = vector.broadcast %mul3A_12 : i32 to vector<16xi32>
    %mul3A_14 = arith.muli %gather3A, %mul3A_13 : vector<16xi32>
    %add3A_15 = arith.constant 0 : i32
    %add3A_16 = arith.addi %mul3A_2, %add3A_15 : i32
    %add3A_17 = vector.broadcast %add3A_16 : i32 to vector<16xi32>
    %add3A_18 = arith.addi %mul3A_14, %add3A_17 : vector<16xi32>
    %mul3A_19 = arith.constant 1024 : i32
    %mul3A_20 = vector.broadcast %mul3A_19 : i32 to vector<16xi32>
    %mul3A_21 = arith.muli %gather3A_11, %mul3A_20 : vector<16xi32>
    %add3A_22 = arith.constant 0 : i32
    %add3A_23 = arith.addi %mul3A_2, %add3A_22 : i32
    %add3A_24 = vector.broadcast %add3A_23 : i32 to vector<16xi32>
    %add3A_25 = arith.addi %mul3A_21, %add3A_24 : vector<16xi32>
    %dma_start3A = arith.constant 0 : i32
    %dma_start3A_26 = arith.constant 0 : i32
    %dma_start3A_27 = arith.constant 0 : i32
    %dma_start3A_28 = tpu.memref_slice %arg10[%dma_start3A, %dma_start3A_26, %dma_start3A_27] : memref<2x24x128xf32, #tpu.memory_space<vmem>> -> memref<1x16x128xf32, #tpu.memory_space<vmem>>
    %dma_start3A_29 = tpu.memref_squeeze %dma_start3A_28 : memref<1x16x128xf32, #tpu.memory_space<vmem>> -> memref<16x128xf32, #tpu.memory_space<vmem>>
    %dma_start3A_30 = arith.constant 0 : i32
    %dma_start3A_31 = arith.constant 0 : i32
    %dma_start3A_32 = tpu.memref_slice %arg2[%dma_start3A_30, %dma_start3A_31] : memref<802816x128xf32, #tpu.memory_space<hbm>> -> memref<802816x128xf32, #tpu.memory_space<hbm>>
    tpu.enqueue_indirect_dma source(%dma_start3A_32 : memref<802816x128xf32, #tpu.memory_space<hbm>>) target(%dma_start3A_29 : memref<16x128xf32, #tpu.memory_space<vmem>>) offsets(%add3A_18 : vector<16xi32>) semaphore(%arg12 : memref<!tpu.dma_semaphore, #tpu.memory_space<semaphore_mem>>)
    %dma_start3A_33 = arith.constant 0 : i32
    %dma_start3A_34 = arith.constant 8 : i32
    %dma_start3A_35 = arith.constant 0 : i32
    %dma_start3A_36 = tpu.memref_slice %arg10[%dma_start3A_33, %dma_start3A_34, %dma_start3A_35] : memref<2x24x128xf32, #tpu.memory_space<vmem>> -> memref<1x16x128xf32, #tpu.memory_space<vmem>>
    %dma_start3A_37 = tpu.memref_squeeze %dma_start3A_36 : memref<1x16x128xf32, #tpu.memory_space<vmem>> -> memref<16x128xf32, #tpu.memory_space<vmem>>
    %dma_start3A_38 = arith.constant 0 : i32
    %dma_start3A_39 = arith.constant 0 : i32
    %dma_start3A_40 = tpu.memref_slice %arg2[%dma_start3A_38, %dma_start3A_39] : memref<802816x128xf32, #tpu.memory_space<hbm>> -> memref<802816x128xf32, #tpu.memory_space<hbm>>
    tpu.enqueue_indirect_dma source(%dma_start3A_40 : memref<802816x128xf32, #tpu.memory_space<hbm>>) target(%dma_start3A_37 : memref<16x128xf32, #tpu.memory_space<vmem>>) offsets(%add3A_25 : vector<16xi32>) semaphore(%arg12 : memref<!tpu.dma_semaphore, #tpu.memory_space<semaphore_mem>>)
    %scan3A = arith.constant 0x7F800000 : f32
    %scan3A_41 = arith.constant 0 : i32
    %scan3A_42 = arith.constant 0 : i32
    %scan3A_43 = arith.constant 32 : i32
    %scan3A_44 = arith.addi %scan3A_42, %scan3A_43 : i32
    %scan3A_45 = arith.constant 1 : i32
    %scan3A_46 = scf.for %scan3A_48 = %scan3A_42 to %scan3A_44 step %scan3A_45 iter_args(%scan3A_49 = %scan3A_41) -> (i32)  : i32 {
      %rem3A = arith.constant 2 : i32
      %rem3A_50 = arith.remsi %scan3A_48, %rem3A : i32
      %dma_wait3A = arith.constant 0 : i32
      %dma_wait3A_51 = arith.constant 0 : i32
      %dma_wait3A_52 = tpu.memref_slice %arg10[%rem3A_50, %dma_wait3A, %dma_wait3A_51] : memref<2x24x128xf32, #tpu.memory_space<vmem>> -> memref<1x16x128xf32, #tpu.memory_space<vmem>>
      %dma_wait3A_53 = tpu.memref_squeeze %dma_wait3A_52 : memref<1x16x128xf32, #tpu.memory_space<vmem>> -> memref<16x128xf32, #tpu.memory_space<vmem>>
      %dma_wait3A_54 = arith.constant 0 : i32
      %dma_wait3A_55 = arith.constant 0 : i32
      %dma_wait3A_56 = tpu.memref_slice %arg2[%dma_wait3A_54, %dma_wait3A_55] : memref<802816x128xf32, #tpu.memory_space<hbm>> -> memref<802816x128xf32, #tpu.memory_space<hbm>>
      tpu.wait_indirect_dma semaphore(%arg12 : memref<!tpu.dma_semaphore, #tpu.memory_space<semaphore_mem>>) src(%dma_wait3A_56 : memref<802816x128xf32, #tpu.memory_space<hbm>>) dst(%dma_wait3A_53 : memref<16x128xf32, #tpu.memory_space<vmem>>)
      %dma_wait3A_57 = arith.constant 8 : i32
      %dma_wait3A_58 = arith.constant 0 : i32
      %dma_wait3A_59 = tpu.memref_slice %arg10[%rem3A_50, %dma_wait3A_57, %dma_wait3A_58] : memref<2x24x128xf32, #tpu.memory_space<vmem>> -> memref<1x16x128xf32, #tpu.memory_space<vmem>>
      %dma_wait3A_60 = tpu.memref_squeeze %dma_wait3A_59 : memref<1x16x128xf32, #tpu.memory_space<vmem>> -> memref<16x128xf32, #tpu.memory_space<vmem>>
      %dma_wait3A_61 = arith.constant 0 : i32
      %dma_wait3A_62 = arith.constant 0 : i32
      %dma_wait3A_63 = tpu.memref_slice %arg2[%dma_wait3A_61, %dma_wait3A_62] : memref<802816x128xf32, #tpu.memory_space<hbm>> -> memref<802816x128xf32, #tpu.memory_space<hbm>>
      tpu.wait_indirect_dma semaphore(%arg12 : memref<!tpu.dma_semaphore, #tpu.memory_space<semaphore_mem>>) src(%dma_wait3A_63 : memref<802816x128xf32, #tpu.memory_space<hbm>>) dst(%dma_wait3A_60 : memref<16x128xf32, #tpu.memory_space<vmem>>)
      %add3A_64 = arith.constant 1 : i32
      %add3A_65 = arith.addi %scan3A_48, %add3A_64 : i32
      %lt3A = arith.constant 32 : i32
      %lt3A_66 = arith.cmpi slt, %add3A_65, %lt3A : i32
      %convert_element_type3A = arith.extui %lt3A_66 : i1 to i32
      %cond3A = arith.constant 0 : i32
      %cond3A_67 = arith.cmpi ne, %convert_element_type3A, %cond3A : i32
      scf.if %cond3A_67 {
        %add3A_297 = arith.constant 1 : i32
        %add3A_298 = arith.addi %scan3A_48, %add3A_297 : i32
        %sub3A_299 = arith.constant 1 : i32
        %sub3A_300 = arith.subi %sub3A_299, %rem3A_50 : i32
        %broadcast_in_dim3A_301 = vector.broadcast %add3A_298 : i32 to vector<16xi32>
        %gather3A_302 = tpu.vector_load_idx %arg8[%broadcast_in_dim3A_301, %iota3A] : memref<32x24xi32, #tpu.memory_space<vmem>>[vector<16xi32>, vector<16xi32>], vector<16xi32>,
        %add3A_303 = arith.constant 8 : i32
        %add3A_304 = vector.broadcast %add3A_303 : i32 to vector<16xi32>
        %add3A_305 = arith.addi %iota3A, %add3A_304 : vector<16xi32>
        %gather3A_306 = tpu.vector_load_idx %arg8[%broadcast_in_dim3A_301, %add3A_305] : memref<32x24xi32, #tpu.memory_space<vmem>>[vector<16xi32>, vector<16xi32>], vector<16xi32>,
        %mul3A_307 = arith.constant 1024 : i32
        %mul3A_308 = vector.broadcast %mul3A_307 : i32 to vector<16xi32>
        %mul3A_309 = arith.muli %gather3A_302, %mul3A_308 : vector<16xi32>
        %add3A_310 = arith.addi %mul3A_2, %add3A_298 : i32
        %add3A_311 = vector.broadcast %add3A_310 : i32 to vector<16xi32>
        %add3A_312 = arith.addi %mul3A_309, %add3A_311 : vector<16xi32>
        %mul3A_313 = arith.constant 1024 : i32
        %mul3A_314 = vector.broadcast %mul3A_313 : i32 to vector<16xi32>
        %mul3A_315 = arith.muli %gather3A_306, %mul3A_314 : vector<16xi32>
        %add3A_316 = arith.addi %mul3A_2, %add3A_298 : i32
        %add3A_317 = vector.broadcast %add3A_316 : i32 to vector<16xi32>
        %add3A_318 = arith.addi %mul3A_315, %add3A_317 : vector<16xi32>
        %dma_start3A_319 = arith.constant 0 : i32
        %dma_start3A_320 = arith.constant 0 : i32
        %dma_start3A_321 = tpu.memref_slice %arg10[%sub3A_300, %dma_start3A_319, %dma_start3A_320] : memref<2x24x128xf32, #tpu.memory_space<vmem>> -> memref<1x16x128xf32, #tpu.memory_space<vmem>>
        %dma_start3A_322 = tpu.memref_squeeze %dma_start3A_321 : memref<1x16x128xf32, #tpu.memory_space<vmem>> -> memref<16x128xf32, #tpu.memory_space<vmem>>
        %dma_start3A_323 = arith.constant 0 : i32
        %dma_start3A_324 = arith.constant 0 : i32
        %dma_start3A_325 = tpu.memref_slice %arg2[%dma_start3A_323, %dma_start3A_324] : memref<802816x128xf32, #tpu.memory_space<hbm>> -> memref<802816x128xf32, #tpu.memory_space<hbm>>
        tpu.enqueue_indirect_dma source(%dma_start3A_325 : memref<802816x128xf32, #tpu.memory_space<hbm>>) target(%dma_start3A_322 : memref<16x128xf32, #tpu.memory_space<vmem>>) offsets(%add3A_312 : vector<16xi32>) semaphore(%arg12 : memref<!tpu.dma_semaphore, #tpu.memory_space<semaphore_mem>>)
        %dma_start3A_326 = arith.constant 8 : i32
        %dma_start3A_327 = arith.constant 0 : i32
        %dma_start3A_328 = tpu.memref_slice %arg10[%sub3A_300, %dma_start3A_326, %dma_start3A_327] : memref<2x24x128xf32, #tpu.memory_space<vmem>> -> memref<1x16x128xf32, #tpu.memory_space<vmem>>
        %dma_start3A_329 = tpu.memref_squeeze %dma_start3A_328 : memref<1x16x128xf32, #tpu.memory_space<vmem>> -> memref<16x128xf32, #tpu.memory_space<vmem>>
        %dma_start3A_330 = arith.constant 0 : i32
        %dma_start3A_331 = arith.constant 0 : i32
        %dma_start3A_332 = tpu.memref_slice %arg2[%dma_start3A_330, %dma_start3A_331] : memref<802816x128xf32, #tpu.memory_space<hbm>> -> memref<802816x128xf32, #tpu.memory_space<hbm>>
        tpu.enqueue_indirect_dma source(%dma_start3A_332 : memref<802816x128xf32, #tpu.memory_space<hbm>>) target(%dma_start3A_329 : memref<16x128xf32, #tpu.memory_space<vmem>>) offsets(%add3A_318 : vector<16xi32>) semaphore(%arg12 : memref<!tpu.dma_semaphore, #tpu.memory_space<semaphore_mem>>)
      } else {
      }
      %broadcast_in_dim3A_68 = vector.broadcast %scan3A_48 : i32 to vector<16xi32>
      %broadcast_in_dim3A_69 = vector.broadcast %rem3A_50 : i32 to vector<16xi32>
      %broadcast_in_dim3A_70 = vector.broadcast %scan3A : f32 to vector<16xf32>
      %broadcast_in_dim3A_71 = arith.constant 0 : i32
      %broadcast_in_dim3A_72 = vector.broadcast %broadcast_in_dim3A_71 : i32 to vector<16xi32>
      %scan3A_73 = arith.constant 0 : i32
      %scan3A_74 = arith.constant 24 : i32
      %scan3A_75 = arith.addi %scan3A_73, %scan3A_74 : i32
      %scan3A_76 = arith.constant 1 : i32
      %scan3A_77:3 = scf.for %scan3A_297 = %scan3A_73 to %scan3A_75 step %scan3A_76 iter_args(%scan3A_298 = %broadcast_in_dim3A_70, %scan3A_299 = %broadcast_in_dim3A_72, %scan3A_300 = %scan3A) -> (vector<16xf32>, vector<16xi32>, f32)  : i32 {
        %broadcast_in_dim3A_301 = vector.broadcast %scan3A_297 : i32 to vector<16xi32>
        %gather3A_302 = tpu.vector_load_idx %arg9[%broadcast_in_dim3A_68, %broadcast_in_dim3A_301] : memref<32x24xf32, #tpu.memory_space<vmem>>[vector<16xi32>, vector<16xi32>], vector<16xf32>,
        %reduce_min3A = arith.constant true
        %reduce_min3A_303 = vector.broadcast %reduce_min3A : i1 to vector<16xi1>
        %reduce_min3A_304 = tpu.scan <min>, %gather3A_302 masked %reduce_min3A_303 : vector<16xf32>, vector<16xi1> -> vector<16xf32>
        %reduce_min3A_305 = vector.extract %reduce_min3A_304[15] : f32 from vector<16xf32>
        %lt3A_306 = arith.cmpf olt, %reduce_min3A_305, %scan3A_300 : f32
        %convert_element_type3A_307 = arith.extui %lt3A_306 : i1 to i32
        %cond3A_308 = arith.constant 0 : i32
        %cond3A_309 = arith.cmpi ne, %convert_element_type3A_307, %cond3A_308 : i32
        %cond3A_310:3 = scf.if %cond3A_309 -> (vector<16xf32>, vector<16xi32>, f32) {
          %gather3A_311 = tpu.vector_load_idx %arg8[%broadcast_in_dim3A_68, %broadcast_in_dim3A_301] : memref<32x24xi32, #tpu.memory_space<vmem>>[vector<16xi32>, vector<16xi32>], vector<16xi32>,
          %scan3A_312 = arith.constant 0 : i32
          %scan3A_313 = arith.constant 8 : i32
          %scan3A_314 = arith.addi %scan3A_312, %scan3A_313 : i32
          %scan3A_315 = arith.constant 1 : i32
          %scan3A_316:3 = scf.for %scan3A_318 = %scan3A_312 to %scan3A_314 step %scan3A_315 iter_args(%scan3A_319 = %scan3A_298, %scan3A_320 = %scan3A_299, %scan3A_321 = %scan3A_300) -> (vector<16xf32>, vector<16xi32>, f32)  : i32 {
            %mul3A_322 = arith.constant 16 : i32
            %mul3A_323 = arith.muli %scan3A_318, %mul3A_322 : i32
            %add3A_324 = vector.broadcast %mul3A_323 : i32 to vector<16xi32>
            %add3A_325 = arith.addi %add3A_324, %iota3A : vector<16xi32>
            %gather3A_326 = tpu.vector_load_idx %arg10[%broadcast_in_dim3A_69, %broadcast_in_dim3A_301, %add3A_325] : memref<2x24x128xf32, #tpu.memory_space<vmem>>[vector<16xi32>, vector<16xi32>, vector<16xi32>], vector<16xf32>,
            %reduce_min3A_327 = arith.constant true
            %reduce_min3A_328 = vector.broadcast %reduce_min3A_327 : i1 to vector<16xi1>
            %reduce_min3A_329 = tpu.scan <min>, %gather3A_326 masked %reduce_min3A_328 : vector<16xf32>, vector<16xi1> -> vector<16xf32>
            %reduce_min3A_330 = vector.extract %reduce_min3A_329[15] : f32 from vector<16xf32>
            %lt3A_331 = arith.cmpf olt, %reduce_min3A_330, %scan3A_321 : f32
            %convert_element_type3A_332 = arith.extui %lt3A_331 : i1 to i32
            %cond3A_333 = arith.constant 0 : i32
            %cond3A_334 = arith.cmpi ne, %convert_element_type3A_332, %cond3A_333 : i32
            %cond3A_335:3 = scf.if %cond3A_334 -> (vector<16xf32>, vector<16xi32>, f32) {
              %mul3A_336 = arith.constant 128 : i32
              %mul3A_337 = vector.broadcast %mul3A_336 : i32 to vector<16xi32>
              %mul3A_338 = arith.muli %gather3A_311, %mul3A_337 : vector<16xi32>
              %add3A_339 = arith.addi %mul3A_338, %add3A_325 : vector<16xi32>
              %masked_sort3A = arith.constant dense<true> : vector<16xi1>
              %masked_sort3A_340, %masked_sort3A_341, %masked_sort3A_342 = tpu.sort %gather3A_326, %add3A_339 masked %masked_sort3A {descending = true} : (vector<16xf32>, vector<16xi32>, vector<16xi1>) -> (vector<16xi1>, vector<16xf32>, vector<16xi32>)
              %lt3A_343 = arith.cmpf olt, %masked_sort3A_341, %scan3A_319 : vector<16xf32>
              %select_n3A_344 = arith.select %lt3A_343, %masked_sort3A_341, %scan3A_319 : vector<16xi1>, vector<16xf32>
              %select_n3A_345 = arith.select %lt3A_343, %masked_sort3A_342, %scan3A_320 : vector<16xi1>, vector<16xi32>
              %masked_sort3A_346 = arith.constant dense<true> : vector<16xi1>
              %masked_sort3A_347, %masked_sort3A_348, %masked_sort3A_349 = tpu.sort %select_n3A_344, %select_n3A_345 masked %masked_sort3A_346 : (vector<16xf32>, vector<16xi32>, vector<16xi1>) -> (vector<16xi1>, vector<16xf32>, vector<16xi32>)
              %reduce_max3A_350 = arith.constant true
              %reduce_max3A_351 = vector.broadcast %reduce_max3A_350 : i1 to vector<16xi1>
              %reduce_max3A_352 = tpu.scan <max>, %masked_sort3A_348 masked %reduce_max3A_351 : vector<16xf32>, vector<16xi1> -> vector<16xf32>
              %reduce_max3A_353 = vector.extract %reduce_max3A_352[15] : f32 from vector<16xf32>
              scf.yield %masked_sort3A_348, %masked_sort3A_349, %reduce_max3A_353 : vector<16xf32>, vector<16xi32>, f32
            } else {
              scf.yield %scan3A_319, %scan3A_320, %scan3A_321 : vector<16xf32>, vector<16xi32>, f32
            }
            scf.yield %cond3A_335#0, %cond3A_335#1, %cond3A_335#2 : vector<16xf32>, vector<16xi32>, f32
          }
          %scan3A_317 = arith.constant 8 : i32
          scf.yield %scan3A_316#0, %scan3A_316#1, %scan3A_316#2 : vector<16xf32>, vector<16xi32>, f32
        } else {
          scf.yield %scan3A_298, %scan3A_299, %scan3A_300 : vector<16xf32>, vector<16xi32>, f32
        }
        scf.yield %cond3A_310#0, %cond3A_310#1, %cond3A_310#2 : vector<16xf32>, vector<16xi32>, f32
      }
      %scan3A_78 = arith.constant 24 : i32
      %gather3A_79 = tpu.vector_load_idx %arg7[%scan3A_77#1] : memref<100352xi32, #tpu.memory_space<vmem>>[vector<16xi32>], vector<16xi32>,
      %broadcast_in_dim3A_80 = arith.constant 0 : i32
      %broadcast_in_dim3A_81 = vector.broadcast %broadcast_in_dim3A_80 : i32 to vector<16xi32>
      %broadcast_in_dim3A_82 = arith.constant 0 : i32
      %broadcast_in_dim3A_83 = vector.broadcast %broadcast_in_dim3A_82 : i32 to vector<16xi32>
      %broadcast_in_dim3A_84 = vector.shape_cast %broadcast_in_dim3A_83 : vector<16xi32> to vector<16x1xi32>
      %gather3A_85 = vector.shape_cast %broadcast_in_dim3A_84 : vector<16x1xi32> to vector<16xi32>
      %gather3A_86 = tpu.dynamic_gather %gather3A_79[%gather3A_85] in [0] : vector<16xi32>, vector<16xi32> -> vector<16xi32>
      %eq3A_87 = arith.cmpi eq, %gather3A_79, %gather3A_86 : vector<16xi32>
      %jit3A = arith.constant 1 : i32
      %jit3A_88 = arith.constant 0 : i32
      %broadcast_in_dim3A_89 = vector.broadcast %jit3A : i32 to vector<16xi32>
      %broadcast_in_dim3A_90 = vector.broadcast %jit3A_88 : i32 to vector<16xi32>
      %select_n3A = arith.select %eq3A_87, %broadcast_in_dim3A_89, %broadcast_in_dim3A_90 : vector<16xi1>, vector<16xi32>
      %add3A_91 = arith.addi %broadcast_in_dim3A_81, %select_n3A : vector<16xi32>
      %broadcast_in_dim3A_92 = arith.constant 1 : i32
      %broadcast_in_dim3A_93 = vector.broadcast %broadcast_in_dim3A_92 : i32 to vector<16xi32>
      %broadcast_in_dim3A_94 = vector.shape_cast %broadcast_in_dim3A_93 : vector<16xi32> to vector<16x1xi32>
      %gather3A_95 = vector.shape_cast %broadcast_in_dim3A_94 : vector<16x1xi32> to vector<16xi32>
      %gather3A_96 = tpu.dynamic_gather %gather3A_79[%gather3A_95] in [0] : vector<16xi32>, vector<16xi32> -> vector<16xi32>
      %eq3A_97 = arith.cmpi eq, %gather3A_79, %gather3A_96 : vector<16xi32>
      %jit3A_98 = arith.constant 1 : i32
      %jit3A_99 = arith.constant 0 : i32
      %broadcast_in_dim3A_100 = vector.broadcast %jit3A_98 : i32 to vector<16xi32>
      %broadcast_in_dim3A_101 = vector.broadcast %jit3A_99 : i32 to vector<16xi32>
      %select_n3A_102 = arith.select %eq3A_97, %broadcast_in_dim3A_100, %broadcast_in_dim3A_101 : vector<16xi1>, vector<16xi32>
      %add3A_103 = arith.addi %add3A_91, %select_n3A_102 : vector<16xi32>
      %broadcast_in_dim3A_104 = arith.constant 2 : i32
      %broadcast_in_dim3A_105 = vector.broadcast %broadcast_in_dim3A_104 : i32 to vector<16xi32>
      %broadcast_in_dim3A_106 = vector.shape_cast %broadcast_in_dim3A_105 : vector<16xi32> to vector<16x1xi32>
      %gather3A_107 = vector.shape_cast %broadcast_in_dim3A_106 : vector<16x1xi32> to vector<16xi32>
      %gather3A_108 = tpu.dynamic_gather %gather3A_79[%gather3A_107] in [0] : vector<16xi32>, vector<16xi32> -> vector<16xi32>
      %eq3A_109 = arith.cmpi eq, %gather3A_79, %gather3A_108 : vector<16xi32>
      %jit3A_110 = arith.constant 1 : i32
      %jit3A_111 = arith.constant 0 : i32
      %broadcast_in_dim3A_112 = vector.broadcast %jit3A_110 : i32 to vector<16xi32>
      %broadcast_in_dim3A_113 = vector.broadcast %jit3A_111 : i32 to vector<16xi32>
      %select_n3A_114 = arith.select %eq3A_109, %broadcast_in_dim3A_112, %broadcast_in_dim3A_113 : vector<16xi1>, vector<16xi32>
      %add3A_115 = arith.addi %add3A_103, %select_n3A_114 : vector<16xi32>
      %broadcast_in_dim3A_116 = arith.constant 3 : i32
      %broadcast_in_dim3A_117 = vector.broadcast %broadcast_in_dim3A_116 : i32 to vector<16xi32>
      %broadcast_in_dim3A_118 = vector.shape_cast %broadcast_in_dim3A_117 : vector<16xi32> to vector<16x1xi32>
      %gather3A_119 = vector.shape_cast %broadcast_in_dim3A_118 : vector<16x1xi32> to vector<16xi32>
      %gather3A_120 = tpu.dynamic_gather %gather3A_79[%gather3A_119] in [0] : vector<16xi32>, vector<16xi32> -> vector<16xi32>
      %eq3A_121 = arith.cmpi eq, %gather3A_79, %gather3A_120 : vector<16xi32>
      %jit3A_122 = arith.constant 1 : i32
      %jit3A_123 = arith.constant 0 : i32
      %broadcast_in_dim3A_124 = vector.broadcast %jit3A_122 : i32 to vector<16xi32>
      %broadcast_in_dim3A_125 = vector.broadcast %jit3A_123 : i32 to vector<16xi32>
      %select_n3A_126 = arith.select %eq3A_121, %broadcast_in_dim3A_124, %broadcast_in_dim3A_125 : vector<16xi1>, vector<16xi32>
      %add3A_127 = arith.addi %add3A_115, %select_n3A_126 : vector<16xi32>
      %broadcast_in_dim3A_128 = arith.constant 4 : i32
      %broadcast_in_dim3A_129 = vector.broadcast %broadcast_in_dim3A_128 : i32 to vector<16xi32>
      %broadcast_in_dim3A_130 = vector.shape_cast %broadcast_in_dim3A_129 : vector<16xi32> to vector<16x1xi32>
      %gather3A_131 = vector.shape_cast %broadcast_in_dim3A_130 : vector<16x1xi32> to vector<16xi32>
      %gather3A_132 = tpu.dynamic_gather %gather3A_79[%gather3A_131] in [0] : vector<16xi32>, vector<16xi32> -> vector<16xi32>
      %eq3A_133 = arith.cmpi eq, %gather3A_79, %gather3A_132 : vector<16xi32>
      %jit3A_134 = arith.constant 1 : i32
      %jit3A_135 = arith.constant 0 : i32
      %broadcast_in_dim3A_136 = vector.broadcast %jit3A_134 : i32 to vector<16xi32>
      %broadcast_in_dim3A_137 = vector.broadcast %jit3A_135 : i32 to vector<16xi32>
      %select_n3A_138 = arith.select %eq3A_133, %broadcast_in_dim3A_136, %broadcast_in_dim3A_137 : vector<16xi1>, vector<16xi32>
      %add3A_139 = arith.addi %add3A_127, %select_n3A_138 : vector<16xi32>
      %broadcast_in_dim3A_140 = arith.constant 5 : i32
      %broadcast_in_dim3A_141 = vector.broadcast %broadcast_in_dim3A_140 : i32 to vector<16xi32>
      %broadcast_in_dim3A_142 = vector.shape_cast %broadcast_in_dim3A_141 : vector<16xi32> to vector<16x1xi32>
      %gather3A_143 = vector.shape_cast %broadcast_in_dim3A_142 : vector<16x1xi32> to vector<16xi32>
      %gather3A_144 = tpu.dynamic_gather %gather3A_79[%gather3A_143] in [0] : vector<16xi32>, vector<16xi32> -> vector<16xi32>
      %eq3A_145 = arith.cmpi eq, %gather3A_79, %gather3A_144 : vector<16xi32>
      %jit3A_146 = arith.constant 1 : i32
      %jit3A_147 = arith.constant 0 : i32
      %broadcast_in_dim3A_148 = vector.broadcast %jit3A_146 : i32 to vector<16xi32>
      %broadcast_in_dim3A_149 = vector.broadcast %jit3A_147 : i32 to vector<16xi32>
      %select_n3A_150 = arith.select %eq3A_145, %broadcast_in_dim3A_148, %broadcast_in_dim3A_149 : vector<16xi1>, vector<16xi32>
      %add3A_151 = arith.addi %add3A_139, %select_n3A_150 : vector<16xi32>
      %broadcast_in_dim3A_152 = arith.constant 6 : i32
      %broadcast_in_dim3A_153 = vector.broadcast %broadcast_in_dim3A_152 : i32 to vector<16xi32>
      %broadcast_in_dim3A_154 = vector.shape_cast %broadcast_in_dim3A_153 : vector<16xi32> to vector<16x1xi32>
      %gather3A_155 = vector.shape_cast %broadcast_in_dim3A_154 : vector<16x1xi32> to vector<16xi32>
      %gather3A_156 = tpu.dynamic_gather %gather3A_79[%gather3A_155] in [0] : vector<16xi32>, vector<16xi32> -> vector<16xi32>
      %eq3A_157 = arith.cmpi eq, %gather3A_79, %gather3A_156 : vector<16xi32>
      %jit3A_158 = arith.constant 1 : i32
      %jit3A_159 = arith.constant 0 : i32
      %broadcast_in_dim3A_160 = vector.broadcast %jit3A_158 : i32 to vector<16xi32>
      %broadcast_in_dim3A_161 = vector.broadcast %jit3A_159 : i32 to vector<16xi32>
      %select_n3A_162 = arith.select %eq3A_157, %broadcast_in_dim3A_160, %broadcast_in_dim3A_161 : vector<16xi1>, vector<16xi32>
      %add3A_163 = arith.addi %add3A_151, %select_n3A_162 : vector<16xi32>
      %broadcast_in_dim3A_164 = arith.constant 7 : i32
      %broadcast_in_dim3A_165 = vector.broadcast %broadcast_in_dim3A_164 : i32 to vector<16xi32>
      %broadcast_in_dim3A_166 = vector.shape_cast %broadcast_in_dim3A_165 : vector<16xi32> to vector<16x1xi32>
      %gather3A_167 = vector.shape_cast %broadcast_in_dim3A_166 : vector<16x1xi32> to vector<16xi32>
      %gather3A_168 = tpu.dynamic_gather %gather3A_79[%gather3A_167] in [0] : vector<16xi32>, vector<16xi32> -> vector<16xi32>
      %eq3A_169 = arith.cmpi eq, %gather3A_79, %gather3A_168 : vector<16xi32>
      %jit3A_170 = arith.constant 1 : i32
      %jit3A_171 = arith.constant 0 : i32
      %broadcast_in_dim3A_172 = vector.broadcast %jit3A_170 : i32 to vector<16xi32>
      %broadcast_in_dim3A_173 = vector.broadcast %jit3A_171 : i32 to vector<16xi32>
      %select_n3A_174 = arith.select %eq3A_169, %broadcast_in_dim3A_172, %broadcast_in_dim3A_173 : vector<16xi1>, vector<16xi32>
      %add3A_175 = arith.addi %add3A_163, %select_n3A_174 : vector<16xi32>
      %broadcast_in_dim3A_176 = arith.constant 8 : i32
      %broadcast_in_dim3A_177 = vector.broadcast %broadcast_in_dim3A_176 : i32 to vector<16xi32>
      %broadcast_in_dim3A_178 = vector.shape_cast %broadcast_in_dim3A_177 : vector<16xi32> to vector<16x1xi32>
      %gather3A_179 = vector.shape_cast %broadcast_in_dim3A_178 : vector<16x1xi32> to vector<16xi32>
      %gather3A_180 = tpu.dynamic_gather %gather3A_79[%gather3A_179] in [0] : vector<16xi32>, vector<16xi32> -> vector<16xi32>
      %eq3A_181 = arith.cmpi eq, %gather3A_79, %gather3A_180 : vector<16xi32>
      %jit3A_182 = arith.constant 1 : i32
      %jit3A_183 = arith.constant 0 : i32
      %broadcast_in_dim3A_184 = vector.broadcast %jit3A_182 : i32 to vector<16xi32>
      %broadcast_in_dim3A_185 = vector.broadcast %jit3A_183 : i32 to vector<16xi32>
      %select_n3A_186 = arith.select %eq3A_181, %broadcast_in_dim3A_184, %broadcast_in_dim3A_185 : vector<16xi1>, vector<16xi32>
      %add3A_187 = arith.addi %add3A_175, %select_n3A_186 : vector<16xi32>
      %broadcast_in_dim3A_188 = arith.constant 9 : i32
      %broadcast_in_dim3A_189 = vector.broadcast %broadcast_in_dim3A_188 : i32 to vector<16xi32>
      %broadcast_in_dim3A_190 = vector.shape_cast %broadcast_in_dim3A_189 : vector<16xi32> to vector<16x1xi32>
      %gather3A_191 = vector.shape_cast %broadcast_in_dim3A_190 : vector<16x1xi32> to vector<16xi32>
      %gather3A_192 = tpu.dynamic_gather %gather3A_79[%gather3A_191] in [0] : vector<16xi32>, vector<16xi32> -> vector<16xi32>
      %eq3A_193 = arith.cmpi eq, %gather3A_79, %gather3A_192 : vector<16xi32>
      %jit3A_194 = arith.constant 1 : i32
      %jit3A_195 = arith.constant 0 : i32
      %broadcast_in_dim3A_196 = vector.broadcast %jit3A_194 : i32 to vector<16xi32>
      %broadcast_in_dim3A_197 = vector.broadcast %jit3A_195 : i32 to vector<16xi32>
      %select_n3A_198 = arith.select %eq3A_193, %broadcast_in_dim3A_196, %broadcast_in_dim3A_197 : vector<16xi1>, vector<16xi32>
      %add3A_199 = arith.addi %add3A_187, %select_n3A_198 : vector<16xi32>
      %broadcast_in_dim3A_200 = arith.constant 10 : i32
      %broadcast_in_dim3A_201 = vector.broadcast %broadcast_in_dim3A_200 : i32 to vector<16xi32>
      %broadcast_in_dim3A_202 = vector.shape_cast %broadcast_in_dim3A_201 : vector<16xi32> to vector<16x1xi32>
      %gather3A_203 = vector.shape_cast %broadcast_in_dim3A_202 : vector<16x1xi32> to vector<16xi32>
      %gather3A_204 = tpu.dynamic_gather %gather3A_79[%gather3A_203] in [0] : vector<16xi32>, vector<16xi32> -> vector<16xi32>
      %eq3A_205 = arith.cmpi eq, %gather3A_79, %gather3A_204 : vector<16xi32>
      %jit3A_206 = arith.constant 1 : i32
      %jit3A_207 = arith.constant 0 : i32
      %broadcast_in_dim3A_208 = vector.broadcast %jit3A_206 : i32 to vector<16xi32>
      %broadcast_in_dim3A_209 = vector.broadcast %jit3A_207 : i32 to vector<16xi32>
      %select_n3A_210 = arith.select %eq3A_205, %broadcast_in_dim3A_208, %broadcast_in_dim3A_209 : vector<16xi1>, vector<16xi32>
      %add3A_211 = arith.addi %add3A_199, %select_n3A_210 : vector<16xi32>
      %broadcast_in_dim3A_212 = arith.constant 11 : i32
      %broadcast_in_dim3A_213 = vector.broadcast %broadcast_in_dim3A_212 : i32 to vector<16xi32>
      %broadcast_in_dim3A_214 = vector.shape_cast %broadcast_in_dim3A_213 : vector<16xi32> to vector<16x1xi32>
      %gather3A_215 = vector.shape_cast %broadcast_in_dim3A_214 : vector<16x1xi32> to vector<16xi32>
      %gather3A_216 = tpu.dynamic_gather %gather3A_79[%gather3A_215] in [0] : vector<16xi32>, vector<16xi32> -> vector<16xi32>
      %eq3A_217 = arith.cmpi eq, %gather3A_79, %gather3A_216 : vector<16xi32>
      %jit3A_218 = arith.constant 1 : i32
      %jit3A_219 = arith.constant 0 : i32
      %broadcast_in_dim3A_220 = vector.broadcast %jit3A_218 : i32 to vector<16xi32>
      %broadcast_in_dim3A_221 = vector.broadcast %jit3A_219 : i32 to vector<16xi32>
      %select_n3A_222 = arith.select %eq3A_217, %broadcast_in_dim3A_220, %broadcast_in_dim3A_221 : vector<16xi1>, vector<16xi32>
      %add3A_223 = arith.addi %add3A_211, %select_n3A_222 : vector<16xi32>
      %broadcast_in_dim3A_224 = arith.constant 12 : i32
      %broadcast_in_dim3A_225 = vector.broadcast %broadcast_in_dim3A_224 : i32 to vector<16xi32>
      %broadcast_in_dim3A_226 = vector.shape_cast %broadcast_in_dim3A_225 : vector<16xi32> to vector<16x1xi32>
      %gather3A_227 = vector.shape_cast %broadcast_in_dim3A_226 : vector<16x1xi32> to vector<16xi32>
      %gather3A_228 = tpu.dynamic_gather %gather3A_79[%gather3A_227] in [0] : vector<16xi32>, vector<16xi32> -> vector<16xi32>
      %eq3A_229 = arith.cmpi eq, %gather3A_79, %gather3A_228 : vector<16xi32>
      %jit3A_230 = arith.constant 1 : i32
      %jit3A_231 = arith.constant 0 : i32
      %broadcast_in_dim3A_232 = vector.broadcast %jit3A_230 : i32 to vector<16xi32>
      %broadcast_in_dim3A_233 = vector.broadcast %jit3A_231 : i32 to vector<16xi32>
      %select_n3A_234 = arith.select %eq3A_229, %broadcast_in_dim3A_232, %broadcast_in_dim3A_233 : vector<16xi1>, vector<16xi32>
      %add3A_235 = arith.addi %add3A_223, %select_n3A_234 : vector<16xi32>
      %broadcast_in_dim3A_236 = arith.constant 13 : i32
      %broadcast_in_dim3A_237 = vector.broadcast %broadcast_in_dim3A_236 : i32 to vector<16xi32>
      %broadcast_in_dim3A_238 = vector.shape_cast %broadcast_in_dim3A_237 : vector<16xi32> to vector<16x1xi32>
      %gather3A_239 = vector.shape_cast %broadcast_in_dim3A_238 : vector<16x1xi32> to vector<16xi32>
      %gather3A_240 = tpu.dynamic_gather %gather3A_79[%gather3A_239] in [0] : vector<16xi32>, vector<16xi32> -> vector<16xi32>
      %eq3A_241 = arith.cmpi eq, %gather3A_79, %gather3A_240 : vector<16xi32>
      %jit3A_242 = arith.constant 1 : i32
      %jit3A_243 = arith.constant 0 : i32
      %broadcast_in_dim3A_244 = vector.broadcast %jit3A_242 : i32 to vector<16xi32>
      %broadcast_in_dim3A_245 = vector.broadcast %jit3A_243 : i32 to vector<16xi32>
      %select_n3A_246 = arith.select %eq3A_241, %broadcast_in_dim3A_244, %broadcast_in_dim3A_245 : vector<16xi1>, vector<16xi32>
      %add3A_247 = arith.addi %add3A_235, %select_n3A_246 : vector<16xi32>
      %broadcast_in_dim3A_248 = arith.constant 14 : i32
      %broadcast_in_dim3A_249 = vector.broadcast %broadcast_in_dim3A_248 : i32 to vector<16xi32>
      %broadcast_in_dim3A_250 = vector.shape_cast %broadcast_in_dim3A_249 : vector<16xi32> to vector<16x1xi32>
      %gather3A_251 = vector.shape_cast %broadcast_in_dim3A_250 : vector<16x1xi32> to vector<16xi32>
      %gather3A_252 = tpu.dynamic_gather %gather3A_79[%gather3A_251] in [0] : vector<16xi32>, vector<16xi32> -> vector<16xi32>
      %eq3A_253 = arith.cmpi eq, %gather3A_79, %gather3A_252 : vector<16xi32>
      %jit3A_254 = arith.constant 1 : i32
      %jit3A_255 = arith.constant 0 : i32
      %broadcast_in_dim3A_256 = vector.broadcast %jit3A_254 : i32 to vector<16xi32>
      %broadcast_in_dim3A_257 = vector.broadcast %jit3A_255 : i32 to vector<16xi32>
      %select_n3A_258 = arith.select %eq3A_253, %broadcast_in_dim3A_256, %broadcast_in_dim3A_257 : vector<16xi1>, vector<16xi32>
      %add3A_259 = arith.addi %add3A_247, %select_n3A_258 : vector<16xi32>
      %broadcast_in_dim3A_260 = arith.constant 15 : i32
      %broadcast_in_dim3A_261 = vector.broadcast %broadcast_in_dim3A_260 : i32 to vector<16xi32>
      %broadcast_in_dim3A_262 = vector.shape_cast %broadcast_in_dim3A_261 : vector<16xi32> to vector<16x1xi32>
      %gather3A_263 = vector.shape_cast %broadcast_in_dim3A_262 : vector<16x1xi32> to vector<16xi32>
      %gather3A_264 = tpu.dynamic_gather %gather3A_79[%gather3A_263] in [0] : vector<16xi32>, vector<16xi32> -> vector<16xi32>
      %eq3A_265 = arith.cmpi eq, %gather3A_79, %gather3A_264 : vector<16xi32>
      %jit3A_266 = arith.constant 1 : i32
      %jit3A_267 = arith.constant 0 : i32
      %broadcast_in_dim3A_268 = vector.broadcast %jit3A_266 : i32 to vector<16xi32>
      %broadcast_in_dim3A_269 = vector.broadcast %jit3A_267 : i32 to vector<16xi32>
      %select_n3A_270 = arith.select %eq3A_265, %broadcast_in_dim3A_268, %broadcast_in_dim3A_269 : vector<16xi1>, vector<16xi32>
      %add3A_271 = arith.addi %add3A_259, %select_n3A_270 : vector<16xi32>
      %mul3A_272 = arith.constant 128 : i32
      %mul3A_273 = vector.broadcast %mul3A_272 : i32 to vector<16xi32>
      %mul3A_274 = arith.muli %add3A_271, %mul3A_273 : vector<16xi32>
      %sub3A = arith.subi %mul3A_274, %gather3A_79 : vector<16xi32>
      %reduce_max3A = arith.constant true
      %reduce_max3A_275 = vector.broadcast %reduce_max3A : i1 to vector<16xi1>
      %reduce_max3A_276 = arith.constant -2147483648 : i32
      %reduce_max3A_277 = vector.broadcast %reduce_max3A_276 : i32 to vector<16xi32>
      %reduce_max3A_278 = arith.xori %sub3A, %reduce_max3A_277 : vector<16xi32>
      %reduce_max3A_279 = tpu.scan <max>, %reduce_max3A_278 masked %reduce_max3A_275 : vector<16xi32>, vector<16xi1> -> vector<16xi32>
      %reduce_max3A_280 = arith.xori %reduce_max3A_279, %reduce_max3A_277 : vector<16xi32>
      %reduce_max3A_281 = vector.extract %reduce_max3A_280[15] : i32 from vector<16xi32>
      %eq3A_282 = vector.broadcast %reduce_max3A_281 : i32 to vector<16xi32>
      %eq3A_283 = arith.cmpi eq, %sub3A, %eq3A_282 : vector<16xi32>
      %jit3A_284 = arith.constant -1 : i32
      %broadcast_in_dim3A_285 = vector.broadcast %jit3A_284 : i32 to vector<16xi32>
      %select_n3A_286 = arith.select %eq3A_283, %gather3A_79, %broadcast_in_dim3A_285 : vector<16xi1>, vector<16xi32>
      %reduce_max3A_287 = arith.constant true
      %reduce_max3A_288 = vector.broadcast %reduce_max3A_287 : i1 to vector<16xi1>
      %reduce_max3A_289 = arith.constant -2147483648 : i32
      %reduce_max3A_290 = vector.broadcast %reduce_max3A_289 : i32 to vector<16xi32>
      %reduce_max3A_291 = arith.xori %select_n3A_286, %reduce_max3A_290 : vector<16xi32>
      %reduce_max3A_292 = tpu.scan <max>, %reduce_max3A_291 masked %reduce_max3A_288 : vector<16xi32>, vector<16xi1> -> vector<16xi32>
      %reduce_max3A_293 = arith.xori %reduce_max3A_292, %reduce_max3A_290 : vector<16xi32>
      %reduce_max3A_294 = vector.extract %reduce_max3A_293[15] : i32 from vector<16xi32>
      %broadcast_in_dim3A_295 = vector.broadcast %reduce_max3A_294 : i32 to vector<16xi32>
      tpu.vector_store_idx %arg11[%broadcast_in_dim3A_68], %broadcast_in_dim3A_295 masked %eq3A_4 : memref<32xi32, #tpu.memory_space<vmem>>[vector<16xi32>], vector<16xi32>, vector<16xi1>
      %scan3A_296 = arith.constant 0 : i32
      scf.yield %scan3A_296 : i32
    }
    %scan3A_47 = arith.constant 32 : i32
    "tpu.region"() ({
      %run_scoped3A = tpu.sem_alloc : memref<!tpu.dma_semaphore, #tpu.memory_space<semaphore_mem>>
      %dma_start3A_48 = tpu.memref_slice %arg6[%mul3A_2] : memref<1024xi32, #tpu.memory_space<hbm>> -> memref<32xi32, #tpu.memory_space<hbm>>
      %dma_start3A_49 = tpu.memref_slice %arg6[%mul3A_2] : memref<1024xi32, #tpu.memory_space<hbm>> -> memref<32xi32, #tpu.memory_space<hbm>>
      tpu.enqueue_dma source(%arg11 : memref<32xi32, #tpu.memory_space<vmem>>) target(%dma_start3A_49 : memref<32xi32, #tpu.memory_space<hbm>>) target_semaphore(%run_scoped3A : memref<!tpu.dma_semaphore, #tpu.memory_space<semaphore_mem>>)
      %dma_wait3A = tpu.memref_slice %arg6[%mul3A_2] : memref<1024xi32, #tpu.memory_space<hbm>> -> memref<32xi32, #tpu.memory_space<hbm>>
      %dma_wait3A_50 = tpu.memref_slice %arg6[%mul3A_2] : memref<1024xi32, #tpu.memory_space<hbm>> -> memref<32xi32, #tpu.memory_space<hbm>>
      tpu.wait_dma2 semaphore(%run_scoped3A : memref<!tpu.dma_semaphore, #tpu.memory_space<semaphore_mem>>) src(%arg11 : memref<32xi32, #tpu.memory_space<vmem>>) dst(%dma_wait3A_50 : memref<32xi32, #tpu.memory_space<hbm>>)
      tpu.yield
    }) : () -> ()
    return
  }
}

module attributes {stable_mosaic.version = 14 : i64} {
  func.func @_dist_body(%arg0: i32, %arg1: memref<1024x128xf32, #tpu.memory_space<vmem>>, %arg2: memref<2048x128xf32, #tpu.memory_space<vmem>>, %arg3: memref<16x1024x128xf32, #tpu.memory_space<vmem>>, %arg4: memref<1x1024x16xf32, #tpu.memory_space<vmem>>) attributes {dimension_semantics = [#tpu.dimension_semantics<arbitrary>], iteration_bounds = array<i64: 49>, scalar_prefetch = 0 : i64, scratch_operands = 0 : i64, tpu.core_type = #tpu.core_type<tc>, window_params = [{pipeline_mode = #tpu.pipeline_mode<synchronous>, transform_indices = @transform_0, window_bounds = array<i64: 1024, 128>}, {transform_indices = @transform_1, window_bounds = array<i64: 2048, 128>}, {transform_indices = @transform_2, window_bounds = array<i64: 16, 1024, 128>}, {transform_indices = @transform_3, window_bounds = array<i64: 1, 1024, 16>}]} {
    %get3A = arith.constant 0 : index
    %get3A_0 = arith.constant 0 : index
    %get3A_1 = vector.load %arg1[%get3A, %get3A_0] : memref<1024x128xf32, #tpu.memory_space<vmem>>, vector<1024x128xf32>
    %get3A_2 = arith.constant 0 : index
    %get3A_3 = arith.constant 0 : index
    %get3A_4 = vector.load %arg2[%get3A_2, %get3A_3] : memref<2048x128xf32, #tpu.memory_space<vmem>>, vector<2048x128xf32>
    %mul3A = arith.mulf %get3A_1, %get3A_1 : vector<1024x128xf32>
    %reduce_sum3A = arith.constant dense<0.000000e+00> : vector<1024xf32>
    %reduce_sum3A_5 = vector.multi_reduction <add>, %mul3A, %reduce_sum3A [1] : vector<1024x128xf32> to vector<1024xf32>
    %broadcast_in_dim3A = vector.shape_cast %reduce_sum3A_5 : vector<1024xf32> to vector<1024x1xf32>
    %mul3A_6 = arith.mulf %get3A_4, %get3A_4 : vector<2048x128xf32>
    %reduce_sum3A_7 = arith.constant dense<0.000000e+00> : vector<2048xf32>
    %reduce_sum3A_8 = vector.multi_reduction <add>, %mul3A_6, %reduce_sum3A_7 [1] : vector<2048x128xf32> to vector<2048xf32>
    %broadcast_in_dim3A_9 = vector.shape_cast %reduce_sum3A_8 : vector<2048xf32> to vector<2048x1xf32>
    %transpose3A = tpu.transpose %broadcast_in_dim3A_9, [1, 0] : vector<2048x1xf32> -> vector<1x2048xf32>
    %dot_general3A = arith.constant dense<0.000000e+00> : vector<1024x2048xf32>
    %dot_general3A_10 = tpu.matmul %get3A_1, %get3A_4, %dot_general3A {dimension_numbers = #tpu.dot_dimension_numbers<[1], [1], [0], [0], [0, 0, 1, 0], [], []>, transpose_lhs_hint = false} : vector<1024x128xf32>, vector<2048x128xf32>, vector<1024x2048xf32> -> vector<1024x2048xf32>
    %add3A = vector.broadcast %broadcast_in_dim3A : vector<1024x1xf32> to vector<1024x2048xf32>
    %add3A_11 = vector.broadcast %transpose3A : vector<1x2048xf32> to vector<1024x2048xf32>
    %add3A_12 = arith.addf %add3A, %add3A_11 : vector<1024x2048xf32>
    %mul3A_13 = arith.constant 2.000000e+00 : f32
    %mul3A_14 = vector.broadcast %mul3A_13 : f32 to vector<1024x2048xf32>
    %mul3A_15 = arith.mulf %mul3A_14, %dot_general3A_10 : vector<1024x2048xf32>
    %sub3A = arith.subf %add3A_12, %mul3A_15 : vector<1024x2048xf32>
    %mul3A_16 = arith.constant 2048 : i32
    %mul3A_17 = arith.muli %arg0, %mul3A_16 : i32
    %iota3A = tpu.iota {dimensions = array<i32: 1>} : vector<1024x2048xi32>
    %add3A_18 = vector.broadcast %mul3A_17 : i32 to vector<1024x2048xi32>
    %add3A_19 = arith.addi %add3A_18, %iota3A : vector<1024x2048xi32>
    %lt3A = arith.constant 100000 : i32
    %lt3A_20 = vector.broadcast %lt3A : i32 to vector<1024x2048xi32>
    %lt3A_21 = arith.cmpi slt, %add3A_19, %lt3A_20 : vector<1024x2048xi32>
    %jit3A = arith.constant 0x7F800000 : f32
    %broadcast_in_dim3A_22 = vector.broadcast %jit3A : f32 to vector<1024x2048xf32>
    %select_n3A = arith.select %lt3A_21, %sub3A, %broadcast_in_dim3A_22 : vector<1024x2048xi1>, vector<1024x2048xf32>
    %slice3A = vector.extract_strided_slice %select_n3A {offsets = [0, 0], sizes = [1024, 128], strides = [1, 1]} : vector<1024x2048xf32> to vector<1024x128xf32>
    %swap3A = arith.constant 0 : index
    %swap3A_23 = arith.constant 0 : index
    %swap3A_24 = arith.constant 0 : index
    %swap3A_25 = vector.load %arg3[%swap3A, %swap3A_23, %swap3A_24] : memref<16x1024x128xf32, #tpu.memory_space<vmem>>, vector<1x1024x128xf32>
    %swap3A_26 = vector.shape_cast %swap3A_25 : vector<1x1024x128xf32> to vector<1024x128xf32>
    %swap3A_27 = vector.shape_cast %slice3A : vector<1024x128xf32> to vector<1x1024x128xf32>
    tpu.vector_store %arg3[%swap3A, %swap3A_23, %swap3A_24], %swap3A_27 {strides = array<i32>} : memref<16x1024x128xf32, #tpu.memory_space<vmem>>, vector<1x1024x128xf32>,
    %reduce_min3A = arith.constant dense<0x7F800000> : vector<1024xf32>
    %reduce_min3A_28 = vector.multi_reduction <minimumf>, %slice3A, %reduce_min3A [1] : vector<1024x128xf32> to vector<1024xf32>
    %broadcast_in_dim3A_29 = vector.shape_cast %reduce_min3A_28 : vector<1024xf32> to vector<1024x1xf32>
    %slice3A_30 = vector.extract_strided_slice %select_n3A {offsets = [0, 128], sizes = [1024, 128], strides = [1, 1]} : vector<1024x2048xf32> to vector<1024x128xf32>
    %swap3A_31 = arith.constant 1 : index
    %swap3A_32 = arith.constant 0 : index
    %swap3A_33 = arith.constant 0 : index
    %swap3A_34 = vector.load %arg3[%swap3A_31, %swap3A_32, %swap3A_33] : memref<16x1024x128xf32, #tpu.memory_space<vmem>>, vector<1x1024x128xf32>
    %swap3A_35 = vector.shape_cast %swap3A_34 : vector<1x1024x128xf32> to vector<1024x128xf32>
    %swap3A_36 = vector.shape_cast %slice3A_30 : vector<1024x128xf32> to vector<1x1024x128xf32>
    tpu.vector_store %arg3[%swap3A_31, %swap3A_32, %swap3A_33], %swap3A_36 {strides = array<i32>} : memref<16x1024x128xf32, #tpu.memory_space<vmem>>, vector<1x1024x128xf32>,
    %reduce_min3A_37 = arith.constant dense<0x7F800000> : vector<1024xf32>
    %reduce_min3A_38 = vector.multi_reduction <minimumf>, %slice3A_30, %reduce_min3A_37 [1] : vector<1024x128xf32> to vector<1024xf32>
    %broadcast_in_dim3A_39 = vector.shape_cast %reduce_min3A_38 : vector<1024xf32> to vector<1024x1xf32>
    %slice3A_40 = vector.extract_strided_slice %select_n3A {offsets = [0, 256], sizes = [1024, 128], strides = [1, 1]} : vector<1024x2048xf32> to vector<1024x128xf32>
    %swap3A_41 = arith.constant 2 : index
    %swap3A_42 = arith.constant 0 : index
    %swap3A_43 = arith.constant 0 : index
    %swap3A_44 = vector.load %arg3[%swap3A_41, %swap3A_42, %swap3A_43] : memref<16x1024x128xf32, #tpu.memory_space<vmem>>, vector<1x1024x128xf32>
    %swap3A_45 = vector.shape_cast %swap3A_44 : vector<1x1024x128xf32> to vector<1024x128xf32>
    %swap3A_46 = vector.shape_cast %slice3A_40 : vector<1024x128xf32> to vector<1x1024x128xf32>
    tpu.vector_store %arg3[%swap3A_41, %swap3A_42, %swap3A_43], %swap3A_46 {strides = array<i32>} : memref<16x1024x128xf32, #tpu.memory_space<vmem>>, vector<1x1024x128xf32>,
    %reduce_min3A_47 = arith.constant dense<0x7F800000> : vector<1024xf32>
    %reduce_min3A_48 = vector.multi_reduction <minimumf>, %slice3A_40, %reduce_min3A_47 [1] : vector<1024x128xf32> to vector<1024xf32>
    %broadcast_in_dim3A_49 = vector.shape_cast %reduce_min3A_48 : vector<1024xf32> to vector<1024x1xf32>
    %slice3A_50 = vector.extract_strided_slice %select_n3A {offsets = [0, 384], sizes = [1024, 128], strides = [1, 1]} : vector<1024x2048xf32> to vector<1024x128xf32>
    %swap3A_51 = arith.constant 3 : index
    %swap3A_52 = arith.constant 0 : index
    %swap3A_53 = arith.constant 0 : index
    %swap3A_54 = vector.load %arg3[%swap3A_51, %swap3A_52, %swap3A_53] : memref<16x1024x128xf32, #tpu.memory_space<vmem>>, vector<1x1024x128xf32>
    %swap3A_55 = vector.shape_cast %swap3A_54 : vector<1x1024x128xf32> to vector<1024x128xf32>
    %swap3A_56 = vector.shape_cast %slice3A_50 : vector<1024x128xf32> to vector<1x1024x128xf32>
    tpu.vector_store %arg3[%swap3A_51, %swap3A_52, %swap3A_53], %swap3A_56 {strides = array<i32>} : memref<16x1024x128xf32, #tpu.memory_space<vmem>>, vector<1x1024x128xf32>,
    %reduce_min3A_57 = arith.constant dense<0x7F800000> : vector<1024xf32>
    %reduce_min3A_58 = vector.multi_reduction <minimumf>, %slice3A_50, %reduce_min3A_57 [1] : vector<1024x128xf32> to vector<1024xf32>
    %broadcast_in_dim3A_59 = vector.shape_cast %reduce_min3A_58 : vector<1024xf32> to vector<1024x1xf32>
    %slice3A_60 = vector.extract_strided_slice %select_n3A {offsets = [0, 512], sizes = [1024, 128], strides = [1, 1]} : vector<1024x2048xf32> to vector<1024x128xf32>
    %swap3A_61 = arith.constant 4 : index
    %swap3A_62 = arith.constant 0 : index
    %swap3A_63 = arith.constant 0 : index
    %swap3A_64 = vector.load %arg3[%swap3A_61, %swap3A_62, %swap3A_63] : memref<16x1024x128xf32, #tpu.memory_space<vmem>>, vector<1x1024x128xf32>
    %swap3A_65 = vector.shape_cast %swap3A_64 : vector<1x1024x128xf32> to vector<1024x128xf32>
    %swap3A_66 = vector.shape_cast %slice3A_60 : vector<1024x128xf32> to vector<1x1024x128xf32>
    tpu.vector_store %arg3[%swap3A_61, %swap3A_62, %swap3A_63], %swap3A_66 {strides = array<i32>} : memref<16x1024x128xf32, #tpu.memory_space<vmem>>, vector<1x1024x128xf32>,
    %reduce_min3A_67 = arith.constant dense<0x7F800000> : vector<1024xf32>
    %reduce_min3A_68 = vector.multi_reduction <minimumf>, %slice3A_60, %reduce_min3A_67 [1] : vector<1024x128xf32> to vector<1024xf32>
    %broadcast_in_dim3A_69 = vector.shape_cast %reduce_min3A_68 : vector<1024xf32> to vector<1024x1xf32>
    %slice3A_70 = vector.extract_strided_slice %select_n3A {offsets = [0, 640], sizes = [1024, 128], strides = [1, 1]} : vector<1024x2048xf32> to vector<1024x128xf32>
    %swap3A_71 = arith.constant 5 : index
    %swap3A_72 = arith.constant 0 : index
    %swap3A_73 = arith.constant 0 : index
    %swap3A_74 = vector.load %arg3[%swap3A_71, %swap3A_72, %swap3A_73] : memref<16x1024x128xf32, #tpu.memory_space<vmem>>, vector<1x1024x128xf32>
    %swap3A_75 = vector.shape_cast %swap3A_74 : vector<1x1024x128xf32> to vector<1024x128xf32>
    %swap3A_76 = vector.shape_cast %slice3A_70 : vector<1024x128xf32> to vector<1x1024x128xf32>
    tpu.vector_store %arg3[%swap3A_71, %swap3A_72, %swap3A_73], %swap3A_76 {strides = array<i32>} : memref<16x1024x128xf32, #tpu.memory_space<vmem>>, vector<1x1024x128xf32>,
    %reduce_min3A_77 = arith.constant dense<0x7F800000> : vector<1024xf32>
    %reduce_min3A_78 = vector.multi_reduction <minimumf>, %slice3A_70, %reduce_min3A_77 [1] : vector<1024x128xf32> to vector<1024xf32>
    %broadcast_in_dim3A_79 = vector.shape_cast %reduce_min3A_78 : vector<1024xf32> to vector<1024x1xf32>
    %slice3A_80 = vector.extract_strided_slice %select_n3A {offsets = [0, 768], sizes = [1024, 128], strides = [1, 1]} : vector<1024x2048xf32> to vector<1024x128xf32>
    %swap3A_81 = arith.constant 6 : index
    %swap3A_82 = arith.constant 0 : index
    %swap3A_83 = arith.constant 0 : index
    %swap3A_84 = vector.load %arg3[%swap3A_81, %swap3A_82, %swap3A_83] : memref<16x1024x128xf32, #tpu.memory_space<vmem>>, vector<1x1024x128xf32>
    %swap3A_85 = vector.shape_cast %swap3A_84 : vector<1x1024x128xf32> to vector<1024x128xf32>
    %swap3A_86 = vector.shape_cast %slice3A_80 : vector<1024x128xf32> to vector<1x1024x128xf32>
    tpu.vector_store %arg3[%swap3A_81, %swap3A_82, %swap3A_83], %swap3A_86 {strides = array<i32>} : memref<16x1024x128xf32, #tpu.memory_space<vmem>>, vector<1x1024x128xf32>,
    %reduce_min3A_87 = arith.constant dense<0x7F800000> : vector<1024xf32>
    %reduce_min3A_88 = vector.multi_reduction <minimumf>, %slice3A_80, %reduce_min3A_87 [1] : vector<1024x128xf32> to vector<1024xf32>
    %broadcast_in_dim3A_89 = vector.shape_cast %reduce_min3A_88 : vector<1024xf32> to vector<1024x1xf32>
    %slice3A_90 = vector.extract_strided_slice %select_n3A {offsets = [0, 896], sizes = [1024, 128], strides = [1, 1]} : vector<1024x2048xf32> to vector<1024x128xf32>
    %swap3A_91 = arith.constant 7 : index
    %swap3A_92 = arith.constant 0 : index
    %swap3A_93 = arith.constant 0 : index
    %swap3A_94 = vector.load %arg3[%swap3A_91, %swap3A_92, %swap3A_93] : memref<16x1024x128xf32, #tpu.memory_space<vmem>>, vector<1x1024x128xf32>
    %swap3A_95 = vector.shape_cast %swap3A_94 : vector<1x1024x128xf32> to vector<1024x128xf32>
    %swap3A_96 = vector.shape_cast %slice3A_90 : vector<1024x128xf32> to vector<1x1024x128xf32>
    tpu.vector_store %arg3[%swap3A_91, %swap3A_92, %swap3A_93], %swap3A_96 {strides = array<i32>} : memref<16x1024x128xf32, #tpu.memory_space<vmem>>, vector<1x1024x128xf32>,
    %reduce_min3A_97 = arith.constant dense<0x7F800000> : vector<1024xf32>
    %reduce_min3A_98 = vector.multi_reduction <minimumf>, %slice3A_90, %reduce_min3A_97 [1] : vector<1024x128xf32> to vector<1024xf32>
    %broadcast_in_dim3A_99 = vector.shape_cast %reduce_min3A_98 : vector<1024xf32> to vector<1024x1xf32>
    %slice3A_100 = vector.extract_strided_slice %select_n3A {offsets = [0, 1024], sizes = [1024, 128], strides = [1, 1]} : vector<1024x2048xf32> to vector<1024x128xf32>
    %swap3A_101 = arith.constant 8 : index
    %swap3A_102 = arith.constant 0 : index
    %swap3A_103 = arith.constant 0 : index
    %swap3A_104 = vector.load %arg3[%swap3A_101, %swap3A_102, %swap3A_103] : memref<16x1024x128xf32, #tpu.memory_space<vmem>>, vector<1x1024x128xf32>
    %swap3A_105 = vector.shape_cast %swap3A_104 : vector<1x1024x128xf32> to vector<1024x128xf32>
    %swap3A_106 = vector.shape_cast %slice3A_100 : vector<1024x128xf32> to vector<1x1024x128xf32>
    tpu.vector_store %arg3[%swap3A_101, %swap3A_102, %swap3A_103], %swap3A_106 {strides = array<i32>} : memref<16x1024x128xf32, #tpu.memory_space<vmem>>, vector<1x1024x128xf32>,
    %reduce_min3A_107 = arith.constant dense<0x7F800000> : vector<1024xf32>
    %reduce_min3A_108 = vector.multi_reduction <minimumf>, %slice3A_100, %reduce_min3A_107 [1] : vector<1024x128xf32> to vector<1024xf32>
    %broadcast_in_dim3A_109 = vector.shape_cast %reduce_min3A_108 : vector<1024xf32> to vector<1024x1xf32>
    %slice3A_110 = vector.extract_strided_slice %select_n3A {offsets = [0, 1152], sizes = [1024, 128], strides = [1, 1]} : vector<1024x2048xf32> to vector<1024x128xf32>
    %swap3A_111 = arith.constant 9 : index
    %swap3A_112 = arith.constant 0 : index
    %swap3A_113 = arith.constant 0 : index
    %swap3A_114 = vector.load %arg3[%swap3A_111, %swap3A_112, %swap3A_113] : memref<16x1024x128xf32, #tpu.memory_space<vmem>>, vector<1x1024x128xf32>
    %swap3A_115 = vector.shape_cast %swap3A_114 : vector<1x1024x128xf32> to vector<1024x128xf32>
    %swap3A_116 = vector.shape_cast %slice3A_110 : vector<1024x128xf32> to vector<1x1024x128xf32>
    tpu.vector_store %arg3[%swap3A_111, %swap3A_112, %swap3A_113], %swap3A_116 {strides = array<i32>} : memref<16x1024x128xf32, #tpu.memory_space<vmem>>, vector<1x1024x128xf32>,
    %reduce_min3A_117 = arith.constant dense<0x7F800000> : vector<1024xf32>
    %reduce_min3A_118 = vector.multi_reduction <minimumf>, %slice3A_110, %reduce_min3A_117 [1] : vector<1024x128xf32> to vector<1024xf32>
    %broadcast_in_dim3A_119 = vector.shape_cast %reduce_min3A_118 : vector<1024xf32> to vector<1024x1xf32>
    %slice3A_120 = vector.extract_strided_slice %select_n3A {offsets = [0, 1280], sizes = [1024, 128], strides = [1, 1]} : vector<1024x2048xf32> to vector<1024x128xf32>
    %swap3A_121 = arith.constant 10 : index
    %swap3A_122 = arith.constant 0 : index
    %swap3A_123 = arith.constant 0 : index
    %swap3A_124 = vector.load %arg3[%swap3A_121, %swap3A_122, %swap3A_123] : memref<16x1024x128xf32, #tpu.memory_space<vmem>>, vector<1x1024x128xf32>
    %swap3A_125 = vector.shape_cast %swap3A_124 : vector<1x1024x128xf32> to vector<1024x128xf32>
    %swap3A_126 = vector.shape_cast %slice3A_120 : vector<1024x128xf32> to vector<1x1024x128xf32>
    tpu.vector_store %arg3[%swap3A_121, %swap3A_122, %swap3A_123], %swap3A_126 {strides = array<i32>} : memref<16x1024x128xf32, #tpu.memory_space<vmem>>, vector<1x1024x128xf32>,
    %reduce_min3A_127 = arith.constant dense<0x7F800000> : vector<1024xf32>
    %reduce_min3A_128 = vector.multi_reduction <minimumf>, %slice3A_120, %reduce_min3A_127 [1] : vector<1024x128xf32> to vector<1024xf32>
    %broadcast_in_dim3A_129 = vector.shape_cast %reduce_min3A_128 : vector<1024xf32> to vector<1024x1xf32>
    %slice3A_130 = vector.extract_strided_slice %select_n3A {offsets = [0, 1408], sizes = [1024, 128], strides = [1, 1]} : vector<1024x2048xf32> to vector<1024x128xf32>
    %swap3A_131 = arith.constant 11 : index
    %swap3A_132 = arith.constant 0 : index
    %swap3A_133 = arith.constant 0 : index
    %swap3A_134 = vector.load %arg3[%swap3A_131, %swap3A_132, %swap3A_133] : memref<16x1024x128xf32, #tpu.memory_space<vmem>>, vector<1x1024x128xf32>
    %swap3A_135 = vector.shape_cast %swap3A_134 : vector<1x1024x128xf32> to vector<1024x128xf32>
    %swap3A_136 = vector.shape_cast %slice3A_130 : vector<1024x128xf32> to vector<1x1024x128xf32>
    tpu.vector_store %arg3[%swap3A_131, %swap3A_132, %swap3A_133], %swap3A_136 {strides = array<i32>} : memref<16x1024x128xf32, #tpu.memory_space<vmem>>, vector<1x1024x128xf32>,
    %reduce_min3A_137 = arith.constant dense<0x7F800000> : vector<1024xf32>
    %reduce_min3A_138 = vector.multi_reduction <minimumf>, %slice3A_130, %reduce_min3A_137 [1] : vector<1024x128xf32> to vector<1024xf32>
    %broadcast_in_dim3A_139 = vector.shape_cast %reduce_min3A_138 : vector<1024xf32> to vector<1024x1xf32>
    %slice3A_140 = vector.extract_strided_slice %select_n3A {offsets = [0, 1536], sizes = [1024, 128], strides = [1, 1]} : vector<1024x2048xf32> to vector<1024x128xf32>
    %swap3A_141 = arith.constant 12 : index
    %swap3A_142 = arith.constant 0 : index
    %swap3A_143 = arith.constant 0 : index
    %swap3A_144 = vector.load %arg3[%swap3A_141, %swap3A_142, %swap3A_143] : memref<16x1024x128xf32, #tpu.memory_space<vmem>>, vector<1x1024x128xf32>
    %swap3A_145 = vector.shape_cast %swap3A_144 : vector<1x1024x128xf32> to vector<1024x128xf32>
    %swap3A_146 = vector.shape_cast %slice3A_140 : vector<1024x128xf32> to vector<1x1024x128xf32>
    tpu.vector_store %arg3[%swap3A_141, %swap3A_142, %swap3A_143], %swap3A_146 {strides = array<i32>} : memref<16x1024x128xf32, #tpu.memory_space<vmem>>, vector<1x1024x128xf32>,
    %reduce_min3A_147 = arith.constant dense<0x7F800000> : vector<1024xf32>
    %reduce_min3A_148 = vector.multi_reduction <minimumf>, %slice3A_140, %reduce_min3A_147 [1] : vector<1024x128xf32> to vector<1024xf32>
    %broadcast_in_dim3A_149 = vector.shape_cast %reduce_min3A_148 : vector<1024xf32> to vector<1024x1xf32>
    %slice3A_150 = vector.extract_strided_slice %select_n3A {offsets = [0, 1664], sizes = [1024, 128], strides = [1, 1]} : vector<1024x2048xf32> to vector<1024x128xf32>
    %swap3A_151 = arith.constant 13 : index
    %swap3A_152 = arith.constant 0 : index
    %swap3A_153 = arith.constant 0 : index
    %swap3A_154 = vector.load %arg3[%swap3A_151, %swap3A_152, %swap3A_153] : memref<16x1024x128xf32, #tpu.memory_space<vmem>>, vector<1x1024x128xf32>
    %swap3A_155 = vector.shape_cast %swap3A_154 : vector<1x1024x128xf32> to vector<1024x128xf32>
    %swap3A_156 = vector.shape_cast %slice3A_150 : vector<1024x128xf32> to vector<1x1024x128xf32>
    tpu.vector_store %arg3[%swap3A_151, %swap3A_152, %swap3A_153], %swap3A_156 {strides = array<i32>} : memref<16x1024x128xf32, #tpu.memory_space<vmem>>, vector<1x1024x128xf32>,
    %reduce_min3A_157 = arith.constant dense<0x7F800000> : vector<1024xf32>
    %reduce_min3A_158 = vector.multi_reduction <minimumf>, %slice3A_150, %reduce_min3A_157 [1] : vector<1024x128xf32> to vector<1024xf32>
    %broadcast_in_dim3A_159 = vector.shape_cast %reduce_min3A_158 : vector<1024xf32> to vector<1024x1xf32>
    %slice3A_160 = vector.extract_strided_slice %select_n3A {offsets = [0, 1792], sizes = [1024, 128], strides = [1, 1]} : vector<1024x2048xf32> to vector<1024x128xf32>
    %swap3A_161 = arith.constant 14 : index
    %swap3A_162 = arith.constant 0 : index
    %swap3A_163 = arith.constant 0 : index
    %swap3A_164 = vector.load %arg3[%swap3A_161, %swap3A_162, %swap3A_163] : memref<16x1024x128xf32, #tpu.memory_space<vmem>>, vector<1x1024x128xf32>
    %swap3A_165 = vector.shape_cast %swap3A_164 : vector<1x1024x128xf32> to vector<1024x128xf32>
    %swap3A_166 = vector.shape_cast %slice3A_160 : vector<1024x128xf32> to vector<1x1024x128xf32>
    tpu.vector_store %arg3[%swap3A_161, %swap3A_162, %swap3A_163], %swap3A_166 {strides = array<i32>} : memref<16x1024x128xf32, #tpu.memory_space<vmem>>, vector<1x1024x128xf32>,
    %reduce_min3A_167 = arith.constant dense<0x7F800000> : vector<1024xf32>
    %reduce_min3A_168 = vector.multi_reduction <minimumf>, %slice3A_160, %reduce_min3A_167 [1] : vector<1024x128xf32> to vector<1024xf32>
    %broadcast_in_dim3A_169 = vector.shape_cast %reduce_min3A_168 : vector<1024xf32> to vector<1024x1xf32>
    %slice3A_170 = vector.extract_strided_slice %select_n3A {offsets = [0, 1920], sizes = [1024, 128], strides = [1, 1]} : vector<1024x2048xf32> to vector<1024x128xf32>
    %swap3A_171 = arith.constant 15 : index
    %swap3A_172 = arith.constant 0 : index
    %swap3A_173 = arith.constant 0 : index
    %swap3A_174 = vector.load %arg3[%swap3A_171, %swap3A_172, %swap3A_173] : memref<16x1024x128xf32, #tpu.memory_space<vmem>>, vector<1x1024x128xf32>
    %swap3A_175 = vector.shape_cast %swap3A_174 : vector<1x1024x128xf32> to vector<1024x128xf32>
    %swap3A_176 = vector.shape_cast %slice3A_170 : vector<1024x128xf32> to vector<1x1024x128xf32>
    tpu.vector_store %arg3[%swap3A_171, %swap3A_172, %swap3A_173], %swap3A_176 {strides = array<i32>} : memref<16x1024x128xf32, #tpu.memory_space<vmem>>, vector<1x1024x128xf32>,
    %reduce_min3A_177 = arith.constant dense<0x7F800000> : vector<1024xf32>
    %reduce_min3A_178 = vector.multi_reduction <minimumf>, %slice3A_170, %reduce_min3A_177 [1] : vector<1024x128xf32> to vector<1024xf32>
    %broadcast_in_dim3A_179 = vector.shape_cast %reduce_min3A_178 : vector<1024xf32> to vector<1024x1xf32>
    %concatenate3A = tpu.concatenate %broadcast_in_dim3A_29, %broadcast_in_dim3A_39, %broadcast_in_dim3A_49, %broadcast_in_dim3A_59, %broadcast_in_dim3A_69, %broadcast_in_dim3A_79, %broadcast_in_dim3A_89, %broadcast_in_dim3A_99, %broadcast_in_dim3A_109, %broadcast_in_dim3A_119, %broadcast_in_dim3A_129, %broadcast_in_dim3A_139, %broadcast_in_dim3A_149, %broadcast_in_dim3A_159, %broadcast_in_dim3A_169, %broadcast_in_dim3A_179 in 1 : vector<1024x1xf32>, vector<1024x1xf32>, vector<1024x1xf32>, vector<1024x1xf32>, vector<1024x1xf32>, vector<1024x1xf32>, vector<1024x1xf32>, vector<1024x1xf32>, vector<1024x1xf32>, vector<1024x1xf32>, vector<1024x1xf32>, vector<1024x1xf32>, vector<1024x1xf32>, vector<1024x1xf32>, vector<1024x1xf32>, vector<1024x1xf32> -> vector<1024x16xf32>
    %swap3A_180 = arith.constant 0 : index
    %swap3A_181 = arith.constant 0 : index
    %swap3A_182 = arith.constant 0 : index
    %swap3A_183 = vector.load %arg4[%swap3A_180, %swap3A_181, %swap3A_182] : memref<1x1024x16xf32, #tpu.memory_space<vmem>>, vector<1x1024x16xf32>
    %swap3A_184 = vector.shape_cast %swap3A_183 : vector<1x1024x16xf32> to vector<1024x16xf32>
    %swap3A_185 = vector.shape_cast %concatenate3A : vector<1024x16xf32> to vector<1x1024x16xf32>
    tpu.vector_store %arg4[%swap3A_180, %swap3A_181, %swap3A_182], %swap3A_185 {strides = array<i32>} : memref<1x1024x16xf32, #tpu.memory_space<vmem>>, vector<1x1024x16xf32>,
    return
  }
  func.func @transform_0(%arg0: i32) -> (i32, i32) {
    %c0_i32 = arith.constant 0 : i32
    %c0_i32_0 = arith.constant 0 : i32
    %c0_i32_1 = arith.constant 0 : i32
    return %c0_i32, %c0_i32_0 : i32, i32
  }
  func.func @transform_1(%arg0: i32) -> (i32, i32) {
    %c0_i32 = arith.constant 0 : i32
    %c0_i32_0 = arith.constant 0 : i32
    return %arg0, %c0_i32 : i32, i32
  }
  func.func @transform_2(%arg0: i32) -> (i32, i32, i32) {
    %c0_i32 = arith.constant 0 : i32
    %c0_i32_0 = arith.constant 0 : i32
    %c0_i32_1 = arith.constant 0 : i32
    return %arg0, %c0_i32, %c0_i32_0 : i32, i32, i32
  }
  func.func @transform_3(%arg0: i32) -> (i32, i32, i32) {
    %c0_i32 = arith.constant 0 : i32
    %c0_i32_0 = arith.constant 0 : i32
    %c0_i32_1 = arith.constant 0 : i32
    return %arg0, %c0_i32, %c0_i32_0 : i32, i32, i32
  }
}

module attributes {stable_mosaic.version = 14 : i64} {
  func.func @_select_body(%arg0: memref<1024x784xf32, #tpu.memory_space<vmem>>, %arg1: memref<1024x24xi32, #tpu.memory_space<vmem>>, %arg2: memref<1024x24xf32, #tpu.memory_space<vmem>>) attributes {dimension_semantics = [], scalar_prefetch = 0 : i64, scratch_operands = 0 : i64, tpu.core_type = #tpu.core_type<tc>} {
    %get3A = arith.constant 0 : index
    %get3A_0 = arith.constant 0 : index
    %get3A_1 = vector.load %arg0[%get3A, %get3A_0] : memref<1024x784xf32, #tpu.memory_space<vmem>>, vector<1024x784xf32>
    %iota3A = tpu.iota {dimensions = array<i32: 1>} : vector<1024x784xi32>
    %reduce_min3A = arith.constant dense<0x7F800000> : vector<1024xf32>
    %reduce_min3A_2 = vector.multi_reduction <minimumf>, %get3A_1, %reduce_min3A [1] : vector<1024x784xf32> to vector<1024xf32>
    %broadcast_in_dim3A = vector.shape_cast %reduce_min3A_2 : vector<1024xf32> to vector<1024x1xf32>
    %eq3A = vector.broadcast %broadcast_in_dim3A : vector<1024x1xf32> to vector<1024x784xf32>
    %eq3A_3 = arith.cmpf oeq, %get3A_1, %eq3A : vector<1024x784xf32>
    %jit3A = arith.constant 1073741824 : i32
    %broadcast_in_dim3A_4 = vector.broadcast %jit3A : i32 to vector<1024x784xi32>
    %select_n3A = arith.select %eq3A_3, %iota3A, %broadcast_in_dim3A_4 : vector<1024x784xi1>, vector<1024x784xi32>
    %reduce_min3A_5 = arith.constant dense<2147483647> : vector<1024xi32>
    %reduce_min3A_6 = vector.multi_reduction <minsi>, %select_n3A, %reduce_min3A_5 [1] : vector<1024x784xi32> to vector<1024xi32>
    %broadcast_in_dim3A_7 = vector.shape_cast %reduce_min3A_6 : vector<1024xi32> to vector<1024x1xi32>
    %eq3A_8 = vector.broadcast %broadcast_in_dim3A_7 : vector<1024x1xi32> to vector<1024x784xi32>
    %eq3A_9 = arith.cmpi eq, %iota3A, %eq3A_8 : vector<1024x784xi32>
    %jit3A_10 = arith.constant 0x7F800000 : f32
    %broadcast_in_dim3A_11 = vector.broadcast %jit3A_10 : f32 to vector<1024x784xf32>
    %select_n3A_12 = arith.select %eq3A_9, %broadcast_in_dim3A_11, %get3A_1 : vector<1024x784xi1>, vector<1024x784xf32>
    %reduce_min3A_13 = arith.constant dense<0x7F800000> : vector<1024xf32>
    %reduce_min3A_14 = vector.multi_reduction <minimumf>, %select_n3A_12, %reduce_min3A_13 [1] : vector<1024x784xf32> to vector<1024xf32>
    %broadcast_in_dim3A_15 = vector.shape_cast %reduce_min3A_14 : vector<1024xf32> to vector<1024x1xf32>
    %eq3A_16 = vector.broadcast %broadcast_in_dim3A_15 : vector<1024x1xf32> to vector<1024x784xf32>
    %eq3A_17 = arith.cmpf oeq, %select_n3A_12, %eq3A_16 : vector<1024x784xf32>
    %jit3A_18 = arith.constant 1073741824 : i32
    %broadcast_in_dim3A_19 = vector.broadcast %jit3A_18 : i32 to vector<1024x784xi32>
    %select_n3A_20 = arith.select %eq3A_17, %iota3A, %broadcast_in_dim3A_19 : vector<1024x784xi1>, vector<1024x784xi32>
    %reduce_min3A_21 = arith.constant dense<2147483647> : vector<1024xi32>
    %reduce_min3A_22 = vector.multi_reduction <minsi>, %select_n3A_20, %reduce_min3A_21 [1] : vector<1024x784xi32> to vector<1024xi32>
    %broadcast_in_dim3A_23 = vector.shape_cast %reduce_min3A_22 : vector<1024xi32> to vector<1024x1xi32>
    %eq3A_24 = vector.broadcast %broadcast_in_dim3A_23 : vector<1024x1xi32> to vector<1024x784xi32>
    %eq3A_25 = arith.cmpi eq, %iota3A, %eq3A_24 : vector<1024x784xi32>
    %jit3A_26 = arith.constant 0x7F800000 : f32
    %broadcast_in_dim3A_27 = vector.broadcast %jit3A_26 : f32 to vector<1024x784xf32>
    %select_n3A_28 = arith.select %eq3A_25, %broadcast_in_dim3A_27, %select_n3A_12 : vector<1024x784xi1>, vector<1024x784xf32>
    %reduce_min3A_29 = arith.constant dense<0x7F800000> : vector<1024xf32>
    %reduce_min3A_30 = vector.multi_reduction <minimumf>, %select_n3A_28, %reduce_min3A_29 [1] : vector<1024x784xf32> to vector<1024xf32>
    %broadcast_in_dim3A_31 = vector.shape_cast %reduce_min3A_30 : vector<1024xf32> to vector<1024x1xf32>
    %eq3A_32 = vector.broadcast %broadcast_in_dim3A_31 : vector<1024x1xf32> to vector<1024x784xf32>
    %eq3A_33 = arith.cmpf oeq, %select_n3A_28, %eq3A_32 : vector<1024x784xf32>
    %jit3A_34 = arith.constant 1073741824 : i32
    %broadcast_in_dim3A_35 = vector.broadcast %jit3A_34 : i32 to vector<1024x784xi32>
    %select_n3A_36 = arith.select %eq3A_33, %iota3A, %broadcast_in_dim3A_35 : vector<1024x784xi1>, vector<1024x784xi32>
    %reduce_min3A_37 = arith.constant dense<2147483647> : vector<1024xi32>
    %reduce_min3A_38 = vector.multi_reduction <minsi>, %select_n3A_36, %reduce_min3A_37 [1] : vector<1024x784xi32> to vector<1024xi32>
    %broadcast_in_dim3A_39 = vector.shape_cast %reduce_min3A_38 : vector<1024xi32> to vector<1024x1xi32>
    %eq3A_40 = vector.broadcast %broadcast_in_dim3A_39 : vector<1024x1xi32> to vector<1024x784xi32>
    %eq3A_41 = arith.cmpi eq, %iota3A, %eq3A_40 : vector<1024x784xi32>
    %jit3A_42 = arith.constant 0x7F800000 : f32
    %broadcast_in_dim3A_43 = vector.broadcast %jit3A_42 : f32 to vector<1024x784xf32>
    %select_n3A_44 = arith.select %eq3A_41, %broadcast_in_dim3A_43, %select_n3A_28 : vector<1024x784xi1>, vector<1024x784xf32>
    %reduce_min3A_45 = arith.constant dense<0x7F800000> : vector<1024xf32>
    %reduce_min3A_46 = vector.multi_reduction <minimumf>, %select_n3A_44, %reduce_min3A_45 [1] : vector<1024x784xf32> to vector<1024xf32>
    %broadcast_in_dim3A_47 = vector.shape_cast %reduce_min3A_46 : vector<1024xf32> to vector<1024x1xf32>
    %eq3A_48 = vector.broadcast %broadcast_in_dim3A_47 : vector<1024x1xf32> to vector<1024x784xf32>
    %eq3A_49 = arith.cmpf oeq, %select_n3A_44, %eq3A_48 : vector<1024x784xf32>
    %jit3A_50 = arith.constant 1073741824 : i32
    %broadcast_in_dim3A_51 = vector.broadcast %jit3A_50 : i32 to vector<1024x784xi32>
    %select_n3A_52 = arith.select %eq3A_49, %iota3A, %broadcast_in_dim3A_51 : vector<1024x784xi1>, vector<1024x784xi32>
    %reduce_min3A_53 = arith.constant dense<2147483647> : vector<1024xi32>
    %reduce_min3A_54 = vector.multi_reduction <minsi>, %select_n3A_52, %reduce_min3A_53 [1] : vector<1024x784xi32> to vector<1024xi32>
    %broadcast_in_dim3A_55 = vector.shape_cast %reduce_min3A_54 : vector<1024xi32> to vector<1024x1xi32>
    %eq3A_56 = vector.broadcast %broadcast_in_dim3A_55 : vector<1024x1xi32> to vector<1024x784xi32>
    %eq3A_57 = arith.cmpi eq, %iota3A, %eq3A_56 : vector<1024x784xi32>
    %jit3A_58 = arith.constant 0x7F800000 : f32
    %broadcast_in_dim3A_59 = vector.broadcast %jit3A_58 : f32 to vector<1024x784xf32>
    %select_n3A_60 = arith.select %eq3A_57, %broadcast_in_dim3A_59, %select_n3A_44 : vector<1024x784xi1>, vector<1024x784xf32>
    %reduce_min3A_61 = arith.constant dense<0x7F800000> : vector<1024xf32>
    %reduce_min3A_62 = vector.multi_reduction <minimumf>, %select_n3A_60, %reduce_min3A_61 [1] : vector<1024x784xf32> to vector<1024xf32>
    %broadcast_in_dim3A_63 = vector.shape_cast %reduce_min3A_62 : vector<1024xf32> to vector<1024x1xf32>
    %eq3A_64 = vector.broadcast %broadcast_in_dim3A_63 : vector<1024x1xf32> to vector<1024x784xf32>
    %eq3A_65 = arith.cmpf oeq, %select_n3A_60, %eq3A_64 : vector<1024x784xf32>
    %jit3A_66 = arith.constant 1073741824 : i32
    %broadcast_in_dim3A_67 = vector.broadcast %jit3A_66 : i32 to vector<1024x784xi32>
    %select_n3A_68 = arith.select %eq3A_65, %iota3A, %broadcast_in_dim3A_67 : vector<1024x784xi1>, vector<1024x784xi32>
    %reduce_min3A_69 = arith.constant dense<2147483647> : vector<1024xi32>
    %reduce_min3A_70 = vector.multi_reduction <minsi>, %select_n3A_68, %reduce_min3A_69 [1] : vector<1024x784xi32> to vector<1024xi32>
    %broadcast_in_dim3A_71 = vector.shape_cast %reduce_min3A_70 : vector<1024xi32> to vector<1024x1xi32>
    %eq3A_72 = vector.broadcast %broadcast_in_dim3A_71 : vector<1024x1xi32> to vector<1024x784xi32>
    %eq3A_73 = arith.cmpi eq, %iota3A, %eq3A_72 : vector<1024x784xi32>
    %jit3A_74 = arith.constant 0x7F800000 : f32
    %broadcast_in_dim3A_75 = vector.broadcast %jit3A_74 : f32 to vector<1024x784xf32>
    %select_n3A_76 = arith.select %eq3A_73, %broadcast_in_dim3A_75, %select_n3A_60 : vector<1024x784xi1>, vector<1024x784xf32>
    %reduce_min3A_77 = arith.constant dense<0x7F800000> : vector<1024xf32>
    %reduce_min3A_78 = vector.multi_reduction <minimumf>, %select_n3A_76, %reduce_min3A_77 [1] : vector<1024x784xf32> to vector<1024xf32>
    %broadcast_in_dim3A_79 = vector.shape_cast %reduce_min3A_78 : vector<1024xf32> to vector<1024x1xf32>
    %eq3A_80 = vector.broadcast %broadcast_in_dim3A_79 : vector<1024x1xf32> to vector<1024x784xf32>
    %eq3A_81 = arith.cmpf oeq, %select_n3A_76, %eq3A_80 : vector<1024x784xf32>
    %jit3A_82 = arith.constant 1073741824 : i32
    %broadcast_in_dim3A_83 = vector.broadcast %jit3A_82 : i32 to vector<1024x784xi32>
    %select_n3A_84 = arith.select %eq3A_81, %iota3A, %broadcast_in_dim3A_83 : vector<1024x784xi1>, vector<1024x784xi32>
    %reduce_min3A_85 = arith.constant dense<2147483647> : vector<1024xi32>
    %reduce_min3A_86 = vector.multi_reduction <minsi>, %select_n3A_84, %reduce_min3A_85 [1] : vector<1024x784xi32> to vector<1024xi32>
    %broadcast_in_dim3A_87 = vector.shape_cast %reduce_min3A_86 : vector<1024xi32> to vector<1024x1xi32>
    %eq3A_88 = vector.broadcast %broadcast_in_dim3A_87 : vector<1024x1xi32> to vector<1024x784xi32>
    %eq3A_89 = arith.cmpi eq, %iota3A, %eq3A_88 : vector<1024x784xi32>
    %jit3A_90 = arith.constant 0x7F800000 : f32
    %broadcast_in_dim3A_91 = vector.broadcast %jit3A_90 : f32 to vector<1024x784xf32>
    %select_n3A_92 = arith.select %eq3A_89, %broadcast_in_dim3A_91, %select_n3A_76 : vector<1024x784xi1>, vector<1024x784xf32>
    %reduce_min3A_93 = arith.constant dense<0x7F800000> : vector<1024xf32>
    %reduce_min3A_94 = vector.multi_reduction <minimumf>, %select_n3A_92, %reduce_min3A_93 [1] : vector<1024x784xf32> to vector<1024xf32>
    %broadcast_in_dim3A_95 = vector.shape_cast %reduce_min3A_94 : vector<1024xf32> to vector<1024x1xf32>
    %eq3A_96 = vector.broadcast %broadcast_in_dim3A_95 : vector<1024x1xf32> to vector<1024x784xf32>
    %eq3A_97 = arith.cmpf oeq, %select_n3A_92, %eq3A_96 : vector<1024x784xf32>
    %jit3A_98 = arith.constant 1073741824 : i32
    %broadcast_in_dim3A_99 = vector.broadcast %jit3A_98 : i32 to vector<1024x784xi32>
    %select_n3A_100 = arith.select %eq3A_97, %iota3A, %broadcast_in_dim3A_99 : vector<1024x784xi1>, vector<1024x784xi32>
    %reduce_min3A_101 = arith.constant dense<2147483647> : vector<1024xi32>
    %reduce_min3A_102 = vector.multi_reduction <minsi>, %select_n3A_100, %reduce_min3A_101 [1] : vector<1024x784xi32> to vector<1024xi32>
    %broadcast_in_dim3A_103 = vector.shape_cast %reduce_min3A_102 : vector<1024xi32> to vector<1024x1xi32>
    %eq3A_104 = vector.broadcast %broadcast_in_dim3A_103 : vector<1024x1xi32> to vector<1024x784xi32>
    %eq3A_105 = arith.cmpi eq, %iota3A, %eq3A_104 : vector<1024x784xi32>
    %jit3A_106 = arith.constant 0x7F800000 : f32
    %broadcast_in_dim3A_107 = vector.broadcast %jit3A_106 : f32 to vector<1024x784xf32>
    %select_n3A_108 = arith.select %eq3A_105, %broadcast_in_dim3A_107, %select_n3A_92 : vector<1024x784xi1>, vector<1024x784xf32>
    %reduce_min3A_109 = arith.constant dense<0x7F800000> : vector<1024xf32>
    %reduce_min3A_110 = vector.multi_reduction <minimumf>, %select_n3A_108, %reduce_min3A_109 [1] : vector<1024x784xf32> to vector<1024xf32>
    %broadcast_in_dim3A_111 = vector.shape_cast %reduce_min3A_110 : vector<1024xf32> to vector<1024x1xf32>
    %eq3A_112 = vector.broadcast %broadcast_in_dim3A_111 : vector<1024x1xf32> to vector<1024x784xf32>
    %eq3A_113 = arith.cmpf oeq, %select_n3A_108, %eq3A_112 : vector<1024x784xf32>
    %jit3A_114 = arith.constant 1073741824 : i32
    %broadcast_in_dim3A_115 = vector.broadcast %jit3A_114 : i32 to vector<1024x784xi32>
    %select_n3A_116 = arith.select %eq3A_113, %iota3A, %broadcast_in_dim3A_115 : vector<1024x784xi1>, vector<1024x784xi32>
    %reduce_min3A_117 = arith.constant dense<2147483647> : vector<1024xi32>
    %reduce_min3A_118 = vector.multi_reduction <minsi>, %select_n3A_116, %reduce_min3A_117 [1] : vector<1024x784xi32> to vector<1024xi32>
    %broadcast_in_dim3A_119 = vector.shape_cast %reduce_min3A_118 : vector<1024xi32> to vector<1024x1xi32>
    %eq3A_120 = vector.broadcast %broadcast_in_dim3A_119 : vector<1024x1xi32> to vector<1024x784xi32>
    %eq3A_121 = arith.cmpi eq, %iota3A, %eq3A_120 : vector<1024x784xi32>
    %jit3A_122 = arith.constant 0x7F800000 : f32
    %broadcast_in_dim3A_123 = vector.broadcast %jit3A_122 : f32 to vector<1024x784xf32>
    %select_n3A_124 = arith.select %eq3A_121, %broadcast_in_dim3A_123, %select_n3A_108 : vector<1024x784xi1>, vector<1024x784xf32>
    %reduce_min3A_125 = arith.constant dense<0x7F800000> : vector<1024xf32>
    %reduce_min3A_126 = vector.multi_reduction <minimumf>, %select_n3A_124, %reduce_min3A_125 [1] : vector<1024x784xf32> to vector<1024xf32>
    %broadcast_in_dim3A_127 = vector.shape_cast %reduce_min3A_126 : vector<1024xf32> to vector<1024x1xf32>
    %eq3A_128 = vector.broadcast %broadcast_in_dim3A_127 : vector<1024x1xf32> to vector<1024x784xf32>
    %eq3A_129 = arith.cmpf oeq, %select_n3A_124, %eq3A_128 : vector<1024x784xf32>
    %jit3A_130 = arith.constant 1073741824 : i32
    %broadcast_in_dim3A_131 = vector.broadcast %jit3A_130 : i32 to vector<1024x784xi32>
    %select_n3A_132 = arith.select %eq3A_129, %iota3A, %broadcast_in_dim3A_131 : vector<1024x784xi1>, vector<1024x784xi32>
    %reduce_min3A_133 = arith.constant dense<2147483647> : vector<1024xi32>
    %reduce_min3A_134 = vector.multi_reduction <minsi>, %select_n3A_132, %reduce_min3A_133 [1] : vector<1024x784xi32> to vector<1024xi32>
    %broadcast_in_dim3A_135 = vector.shape_cast %reduce_min3A_134 : vector<1024xi32> to vector<1024x1xi32>
    %eq3A_136 = vector.broadcast %broadcast_in_dim3A_135 : vector<1024x1xi32> to vector<1024x784xi32>
    %eq3A_137 = arith.cmpi eq, %iota3A, %eq3A_136 : vector<1024x784xi32>
    %jit3A_138 = arith.constant 0x7F800000 : f32
    %broadcast_in_dim3A_139 = vector.broadcast %jit3A_138 : f32 to vector<1024x784xf32>
    %select_n3A_140 = arith.select %eq3A_137, %broadcast_in_dim3A_139, %select_n3A_124 : vector<1024x784xi1>, vector<1024x784xf32>
    %reduce_min3A_141 = arith.constant dense<0x7F800000> : vector<1024xf32>
    %reduce_min3A_142 = vector.multi_reduction <minimumf>, %select_n3A_140, %reduce_min3A_141 [1] : vector<1024x784xf32> to vector<1024xf32>
    %broadcast_in_dim3A_143 = vector.shape_cast %reduce_min3A_142 : vector<1024xf32> to vector<1024x1xf32>
    %eq3A_144 = vector.broadcast %broadcast_in_dim3A_143 : vector<1024x1xf32> to vector<1024x784xf32>
    %eq3A_145 = arith.cmpf oeq, %select_n3A_140, %eq3A_144 : vector<1024x784xf32>
    %jit3A_146 = arith.constant 1073741824 : i32
    %broadcast_in_dim3A_147 = vector.broadcast %jit3A_146 : i32 to vector<1024x784xi32>
    %select_n3A_148 = arith.select %eq3A_145, %iota3A, %broadcast_in_dim3A_147 : vector<1024x784xi1>, vector<1024x784xi32>
    %reduce_min3A_149 = arith.constant dense<2147483647> : vector<1024xi32>
    %reduce_min3A_150 = vector.multi_reduction <minsi>, %select_n3A_148, %reduce_min3A_149 [1] : vector<1024x784xi32> to vector<1024xi32>
    %broadcast_in_dim3A_151 = vector.shape_cast %reduce_min3A_150 : vector<1024xi32> to vector<1024x1xi32>
    %eq3A_152 = vector.broadcast %broadcast_in_dim3A_151 : vector<1024x1xi32> to vector<1024x784xi32>
    %eq3A_153 = arith.cmpi eq, %iota3A, %eq3A_152 : vector<1024x784xi32>
    %jit3A_154 = arith.constant 0x7F800000 : f32
    %broadcast_in_dim3A_155 = vector.broadcast %jit3A_154 : f32 to vector<1024x784xf32>
    %select_n3A_156 = arith.select %eq3A_153, %broadcast_in_dim3A_155, %select_n3A_140 : vector<1024x784xi1>, vector<1024x784xf32>
    %reduce_min3A_157 = arith.constant dense<0x7F800000> : vector<1024xf32>
    %reduce_min3A_158 = vector.multi_reduction <minimumf>, %select_n3A_156, %reduce_min3A_157 [1] : vector<1024x784xf32> to vector<1024xf32>
    %broadcast_in_dim3A_159 = vector.shape_cast %reduce_min3A_158 : vector<1024xf32> to vector<1024x1xf32>
    %eq3A_160 = vector.broadcast %broadcast_in_dim3A_159 : vector<1024x1xf32> to vector<1024x784xf32>
    %eq3A_161 = arith.cmpf oeq, %select_n3A_156, %eq3A_160 : vector<1024x784xf32>
    %jit3A_162 = arith.constant 1073741824 : i32
    %broadcast_in_dim3A_163 = vector.broadcast %jit3A_162 : i32 to vector<1024x784xi32>
    %select_n3A_164 = arith.select %eq3A_161, %iota3A, %broadcast_in_dim3A_163 : vector<1024x784xi1>, vector<1024x784xi32>
    %reduce_min3A_165 = arith.constant dense<2147483647> : vector<1024xi32>
    %reduce_min3A_166 = vector.multi_reduction <minsi>, %select_n3A_164, %reduce_min3A_165 [1] : vector<1024x784xi32> to vector<1024xi32>
    %broadcast_in_dim3A_167 = vector.shape_cast %reduce_min3A_166 : vector<1024xi32> to vector<1024x1xi32>
    %eq3A_168 = vector.broadcast %broadcast_in_dim3A_167 : vector<1024x1xi32> to vector<1024x784xi32>
    %eq3A_169 = arith.cmpi eq, %iota3A, %eq3A_168 : vector<1024x784xi32>
    %jit3A_170 = arith.constant 0x7F800000 : f32
    %broadcast_in_dim3A_171 = vector.broadcast %jit3A_170 : f32 to vector<1024x784xf32>
    %select_n3A_172 = arith.select %eq3A_169, %broadcast_in_dim3A_171, %select_n3A_156 : vector<1024x784xi1>, vector<1024x784xf32>
    %reduce_min3A_173 = arith.constant dense<0x7F800000> : vector<1024xf32>
    %reduce_min3A_174 = vector.multi_reduction <minimumf>, %select_n3A_172, %reduce_min3A_173 [1] : vector<1024x784xf32> to vector<1024xf32>
    %broadcast_in_dim3A_175 = vector.shape_cast %reduce_min3A_174 : vector<1024xf32> to vector<1024x1xf32>
    %eq3A_176 = vector.broadcast %broadcast_in_dim3A_175 : vector<1024x1xf32> to vector<1024x784xf32>
    %eq3A_177 = arith.cmpf oeq, %select_n3A_172, %eq3A_176 : vector<1024x784xf32>
    %jit3A_178 = arith.constant 1073741824 : i32
    %broadcast_in_dim3A_179 = vector.broadcast %jit3A_178 : i32 to vector<1024x784xi32>
    %select_n3A_180 = arith.select %eq3A_177, %iota3A, %broadcast_in_dim3A_179 : vector<1024x784xi1>, vector<1024x784xi32>
    %reduce_min3A_181 = arith.constant dense<2147483647> : vector<1024xi32>
    %reduce_min3A_182 = vector.multi_reduction <minsi>, %select_n3A_180, %reduce_min3A_181 [1] : vector<1024x784xi32> to vector<1024xi32>
    %broadcast_in_dim3A_183 = vector.shape_cast %reduce_min3A_182 : vector<1024xi32> to vector<1024x1xi32>
    %eq3A_184 = vector.broadcast %broadcast_in_dim3A_183 : vector<1024x1xi32> to vector<1024x784xi32>
    %eq3A_185 = arith.cmpi eq, %iota3A, %eq3A_184 : vector<1024x784xi32>
    %jit3A_186 = arith.constant 0x7F800000 : f32
    %broadcast_in_dim3A_187 = vector.broadcast %jit3A_186 : f32 to vector<1024x784xf32>
    %select_n3A_188 = arith.select %eq3A_185, %broadcast_in_dim3A_187, %select_n3A_172 : vector<1024x784xi1>, vector<1024x784xf32>
    %reduce_min3A_189 = arith.constant dense<0x7F800000> : vector<1024xf32>
    %reduce_min3A_190 = vector.multi_reduction <minimumf>, %select_n3A_188, %reduce_min3A_189 [1] : vector<1024x784xf32> to vector<1024xf32>
    %broadcast_in_dim3A_191 = vector.shape_cast %reduce_min3A_190 : vector<1024xf32> to vector<1024x1xf32>
    %eq3A_192 = vector.broadcast %broadcast_in_dim3A_191 : vector<1024x1xf32> to vector<1024x784xf32>
    %eq3A_193 = arith.cmpf oeq, %select_n3A_188, %eq3A_192 : vector<1024x784xf32>
    %jit3A_194 = arith.constant 1073741824 : i32
    %broadcast_in_dim3A_195 = vector.broadcast %jit3A_194 : i32 to vector<1024x784xi32>
    %select_n3A_196 = arith.select %eq3A_193, %iota3A, %broadcast_in_dim3A_195 : vector<1024x784xi1>, vector<1024x784xi32>
    %reduce_min3A_197 = arith.constant dense<2147483647> : vector<1024xi32>
    %reduce_min3A_198 = vector.multi_reduction <minsi>, %select_n3A_196, %reduce_min3A_197 [1] : vector<1024x784xi32> to vector<1024xi32>
    %broadcast_in_dim3A_199 = vector.shape_cast %reduce_min3A_198 : vector<1024xi32> to vector<1024x1xi32>
    %eq3A_200 = vector.broadcast %broadcast_in_dim3A_199 : vector<1024x1xi32> to vector<1024x784xi32>
    %eq3A_201 = arith.cmpi eq, %iota3A, %eq3A_200 : vector<1024x784xi32>
    %jit3A_202 = arith.constant 0x7F800000 : f32
    %broadcast_in_dim3A_203 = vector.broadcast %jit3A_202 : f32 to vector<1024x784xf32>
    %select_n3A_204 = arith.select %eq3A_201, %broadcast_in_dim3A_203, %select_n3A_188 : vector<1024x784xi1>, vector<1024x784xf32>
    %reduce_min3A_205 = arith.constant dense<0x7F800000> : vector<1024xf32>
    %reduce_min3A_206 = vector.multi_reduction <minimumf>, %select_n3A_204, %reduce_min3A_205 [1] : vector<1024x784xf32> to vector<1024xf32>
    %broadcast_in_dim3A_207 = vector.shape_cast %reduce_min3A_206 : vector<1024xf32> to vector<1024x1xf32>
    %eq3A_208 = vector.broadcast %broadcast_in_dim3A_207 : vector<1024x1xf32> to vector<1024x784xf32>
    %eq3A_209 = arith.cmpf oeq, %select_n3A_204, %eq3A_208 : vector<1024x784xf32>
    %jit3A_210 = arith.constant 1073741824 : i32
    %broadcast_in_dim3A_211 = vector.broadcast %jit3A_210 : i32 to vector<1024x784xi32>
    %select_n3A_212 = arith.select %eq3A_209, %iota3A, %broadcast_in_dim3A_211 : vector<1024x784xi1>, vector<1024x784xi32>
    %reduce_min3A_213 = arith.constant dense<2147483647> : vector<1024xi32>
    %reduce_min3A_214 = vector.multi_reduction <minsi>, %select_n3A_212, %reduce_min3A_213 [1] : vector<1024x784xi32> to vector<1024xi32>
    %broadcast_in_dim3A_215 = vector.shape_cast %reduce_min3A_214 : vector<1024xi32> to vector<1024x1xi32>
    %eq3A_216 = vector.broadcast %broadcast_in_dim3A_215 : vector<1024x1xi32> to vector<1024x784xi32>
    %eq3A_217 = arith.cmpi eq, %iota3A, %eq3A_216 : vector<1024x784xi32>
    %jit3A_218 = arith.constant 0x7F800000 : f32
    %broadcast_in_dim3A_219 = vector.broadcast %jit3A_218 : f32 to vector<1024x784xf32>
    %select_n3A_220 = arith.select %eq3A_217, %broadcast_in_dim3A_219, %select_n3A_204 : vector<1024x784xi1>, vector<1024x784xf32>
    %reduce_min3A_221 = arith.constant dense<0x7F800000> : vector<1024xf32>
    %reduce_min3A_222 = vector.multi_reduction <minimumf>, %select_n3A_220, %reduce_min3A_221 [1] : vector<1024x784xf32> to vector<1024xf32>
    %broadcast_in_dim3A_223 = vector.shape_cast %reduce_min3A_222 : vector<1024xf32> to vector<1024x1xf32>
    %eq3A_224 = vector.broadcast %broadcast_in_dim3A_223 : vector<1024x1xf32> to vector<1024x784xf32>
    %eq3A_225 = arith.cmpf oeq, %select_n3A_220, %eq3A_224 : vector<1024x784xf32>
    %jit3A_226 = arith.constant 1073741824 : i32
    %broadcast_in_dim3A_227 = vector.broadcast %jit3A_226 : i32 to vector<1024x784xi32>
    %select_n3A_228 = arith.select %eq3A_225, %iota3A, %broadcast_in_dim3A_227 : vector<1024x784xi1>, vector<1024x784xi32>
    %reduce_min3A_229 = arith.constant dense<2147483647> : vector<1024xi32>
    %reduce_min3A_230 = vector.multi_reduction <minsi>, %select_n3A_228, %reduce_min3A_229 [1] : vector<1024x784xi32> to vector<1024xi32>
    %broadcast_in_dim3A_231 = vector.shape_cast %reduce_min3A_230 : vector<1024xi32> to vector<1024x1xi32>
    %eq3A_232 = vector.broadcast %broadcast_in_dim3A_231 : vector<1024x1xi32> to vector<1024x784xi32>
    %eq3A_233 = arith.cmpi eq, %iota3A, %eq3A_232 : vector<1024x784xi32>
    %jit3A_234 = arith.constant 0x7F800000 : f32
    %broadcast_in_dim3A_235 = vector.broadcast %jit3A_234 : f32 to vector<1024x784xf32>
    %select_n3A_236 = arith.select %eq3A_233, %broadcast_in_dim3A_235, %select_n3A_220 : vector<1024x784xi1>, vector<1024x784xf32>
    %reduce_min3A_237 = arith.constant dense<0x7F800000> : vector<1024xf32>
    %reduce_min3A_238 = vector.multi_reduction <minimumf>, %select_n3A_236, %reduce_min3A_237 [1] : vector<1024x784xf32> to vector<1024xf32>
    %broadcast_in_dim3A_239 = vector.shape_cast %reduce_min3A_238 : vector<1024xf32> to vector<1024x1xf32>
    %eq3A_240 = vector.broadcast %broadcast_in_dim3A_239 : vector<1024x1xf32> to vector<1024x784xf32>
    %eq3A_241 = arith.cmpf oeq, %select_n3A_236, %eq3A_240 : vector<1024x784xf32>
    %jit3A_242 = arith.constant 1073741824 : i32
    %broadcast_in_dim3A_243 = vector.broadcast %jit3A_242 : i32 to vector<1024x784xi32>
    %select_n3A_244 = arith.select %eq3A_241, %iota3A, %broadcast_in_dim3A_243 : vector<1024x784xi1>, vector<1024x784xi32>
    %reduce_min3A_245 = arith.constant dense<2147483647> : vector<1024xi32>
    %reduce_min3A_246 = vector.multi_reduction <minsi>, %select_n3A_244, %reduce_min3A_245 [1] : vector<1024x784xi32> to vector<1024xi32>
    %broadcast_in_dim3A_247 = vector.shape_cast %reduce_min3A_246 : vector<1024xi32> to vector<1024x1xi32>
    %eq3A_248 = vector.broadcast %broadcast_in_dim3A_247 : vector<1024x1xi32> to vector<1024x784xi32>
    %eq3A_249 = arith.cmpi eq, %iota3A, %eq3A_248 : vector<1024x784xi32>
    %jit3A_250 = arith.constant 0x7F800000 : f32
    %broadcast_in_dim3A_251 = vector.broadcast %jit3A_250 : f32 to vector<1024x784xf32>
    %select_n3A_252 = arith.select %eq3A_249, %broadcast_in_dim3A_251, %select_n3A_236 : vector<1024x784xi1>, vector<1024x784xf32>
    %reduce_min3A_253 = arith.constant dense<0x7F800000> : vector<1024xf32>
    %reduce_min3A_254 = vector.multi_reduction <minimumf>, %select_n3A_252, %reduce_min3A_253 [1] : vector<1024x784xf32> to vector<1024xf32>
    %broadcast_in_dim3A_255 = vector.shape_cast %reduce_min3A_254 : vector<1024xf32> to vector<1024x1xf32>
    %eq3A_256 = vector.broadcast %broadcast_in_dim3A_255 : vector<1024x1xf32> to vector<1024x784xf32>
    %eq3A_257 = arith.cmpf oeq, %select_n3A_252, %eq3A_256 : vector<1024x784xf32>
    %jit3A_258 = arith.constant 1073741824 : i32
    %broadcast_in_dim3A_259 = vector.broadcast %jit3A_258 : i32 to vector<1024x784xi32>
    %select_n3A_260 = arith.select %eq3A_257, %iota3A, %broadcast_in_dim3A_259 : vector<1024x784xi1>, vector<1024x784xi32>
    %reduce_min3A_261 = arith.constant dense<2147483647> : vector<1024xi32>
    %reduce_min3A_262 = vector.multi_reduction <minsi>, %select_n3A_260, %reduce_min3A_261 [1] : vector<1024x784xi32> to vector<1024xi32>
    %broadcast_in_dim3A_263 = vector.shape_cast %reduce_min3A_262 : vector<1024xi32> to vector<1024x1xi32>
    %eq3A_264 = vector.broadcast %broadcast_in_dim3A_263 : vector<1024x1xi32> to vector<1024x784xi32>
    %eq3A_265 = arith.cmpi eq, %iota3A, %eq3A_264 : vector<1024x784xi32>
    %jit3A_266 = arith.constant 0x7F800000 : f32
    %broadcast_in_dim3A_267 = vector.broadcast %jit3A_266 : f32 to vector<1024x784xf32>
    %select_n3A_268 = arith.select %eq3A_265, %broadcast_in_dim3A_267, %select_n3A_252 : vector<1024x784xi1>, vector<1024x784xf32>
    %reduce_min3A_269 = arith.constant dense<0x7F800000> : vector<1024xf32>
    %reduce_min3A_270 = vector.multi_reduction <minimumf>, %select_n3A_268, %reduce_min3A_269 [1] : vector<1024x784xf32> to vector<1024xf32>
    %broadcast_in_dim3A_271 = vector.shape_cast %reduce_min3A_270 : vector<1024xf32> to vector<1024x1xf32>
    %eq3A_272 = vector.broadcast %broadcast_in_dim3A_271 : vector<1024x1xf32> to vector<1024x784xf32>
    %eq3A_273 = arith.cmpf oeq, %select_n3A_268, %eq3A_272 : vector<1024x784xf32>
    %jit3A_274 = arith.constant 1073741824 : i32
    %broadcast_in_dim3A_275 = vector.broadcast %jit3A_274 : i32 to vector<1024x784xi32>
    %select_n3A_276 = arith.select %eq3A_273, %iota3A, %broadcast_in_dim3A_275 : vector<1024x784xi1>, vector<1024x784xi32>
    %reduce_min3A_277 = arith.constant dense<2147483647> : vector<1024xi32>
    %reduce_min3A_278 = vector.multi_reduction <minsi>, %select_n3A_276, %reduce_min3A_277 [1] : vector<1024x784xi32> to vector<1024xi32>
    %broadcast_in_dim3A_279 = vector.shape_cast %reduce_min3A_278 : vector<1024xi32> to vector<1024x1xi32>
    %eq3A_280 = vector.broadcast %broadcast_in_dim3A_279 : vector<1024x1xi32> to vector<1024x784xi32>
    %eq3A_281 = arith.cmpi eq, %iota3A, %eq3A_280 : vector<1024x784xi32>
    %jit3A_282 = arith.constant 0x7F800000 : f32
    %broadcast_in_dim3A_283 = vector.broadcast %jit3A_282 : f32 to vector<1024x784xf32>
    %select_n3A_284 = arith.select %eq3A_281, %broadcast_in_dim3A_283, %select_n3A_268 : vector<1024x784xi1>, vector<1024x784xf32>
    %reduce_min3A_285 = arith.constant dense<0x7F800000> : vector<1024xf32>
    %reduce_min3A_286 = vector.multi_reduction <minimumf>, %select_n3A_284, %reduce_min3A_285 [1] : vector<1024x784xf32> to vector<1024xf32>
    %broadcast_in_dim3A_287 = vector.shape_cast %reduce_min3A_286 : vector<1024xf32> to vector<1024x1xf32>
    %eq3A_288 = vector.broadcast %broadcast_in_dim3A_287 : vector<1024x1xf32> to vector<1024x784xf32>
    %eq3A_289 = arith.cmpf oeq, %select_n3A_284, %eq3A_288 : vector<1024x784xf32>
    %jit3A_290 = arith.constant 1073741824 : i32
    %broadcast_in_dim3A_291 = vector.broadcast %jit3A_290 : i32 to vector<1024x784xi32>
    %select_n3A_292 = arith.select %eq3A_289, %iota3A, %broadcast_in_dim3A_291 : vector<1024x784xi1>, vector<1024x784xi32>
    %reduce_min3A_293 = arith.constant dense<2147483647> : vector<1024xi32>
    %reduce_min3A_294 = vector.multi_reduction <minsi>, %select_n3A_292, %reduce_min3A_293 [1] : vector<1024x784xi32> to vector<1024xi32>
    %broadcast_in_dim3A_295 = vector.shape_cast %reduce_min3A_294 : vector<1024xi32> to vector<1024x1xi32>
    %eq3A_296 = vector.broadcast %broadcast_in_dim3A_295 : vector<1024x1xi32> to vector<1024x784xi32>
    %eq3A_297 = arith.cmpi eq, %iota3A, %eq3A_296 : vector<1024x784xi32>
    %jit3A_298 = arith.constant 0x7F800000 : f32
    %broadcast_in_dim3A_299 = vector.broadcast %jit3A_298 : f32 to vector<1024x784xf32>
    %select_n3A_300 = arith.select %eq3A_297, %broadcast_in_dim3A_299, %select_n3A_284 : vector<1024x784xi1>, vector<1024x784xf32>
    %reduce_min3A_301 = arith.constant dense<0x7F800000> : vector<1024xf32>
    %reduce_min3A_302 = vector.multi_reduction <minimumf>, %select_n3A_300, %reduce_min3A_301 [1] : vector<1024x784xf32> to vector<1024xf32>
    %broadcast_in_dim3A_303 = vector.shape_cast %reduce_min3A_302 : vector<1024xf32> to vector<1024x1xf32>
    %eq3A_304 = vector.broadcast %broadcast_in_dim3A_303 : vector<1024x1xf32> to vector<1024x784xf32>
    %eq3A_305 = arith.cmpf oeq, %select_n3A_300, %eq3A_304 : vector<1024x784xf32>
    %jit3A_306 = arith.constant 1073741824 : i32
    %broadcast_in_dim3A_307 = vector.broadcast %jit3A_306 : i32 to vector<1024x784xi32>
    %select_n3A_308 = arith.select %eq3A_305, %iota3A, %broadcast_in_dim3A_307 : vector<1024x784xi1>, vector<1024x784xi32>
    %reduce_min3A_309 = arith.constant dense<2147483647> : vector<1024xi32>
    %reduce_min3A_310 = vector.multi_reduction <minsi>, %select_n3A_308, %reduce_min3A_309 [1] : vector<1024x784xi32> to vector<1024xi32>
    %broadcast_in_dim3A_311 = vector.shape_cast %reduce_min3A_310 : vector<1024xi32> to vector<1024x1xi32>
    %eq3A_312 = vector.broadcast %broadcast_in_dim3A_311 : vector<1024x1xi32> to vector<1024x784xi32>
    %eq3A_313 = arith.cmpi eq, %iota3A, %eq3A_312 : vector<1024x784xi32>
    %jit3A_314 = arith.constant 0x7F800000 : f32
    %broadcast_in_dim3A_315 = vector.broadcast %jit3A_314 : f32 to vector<1024x784xf32>
    %select_n3A_316 = arith.select %eq3A_313, %broadcast_in_dim3A_315, %select_n3A_300 : vector<1024x784xi1>, vector<1024x784xf32>
    %reduce_min3A_317 = arith.constant dense<0x7F800000> : vector<1024xf32>
    %reduce_min3A_318 = vector.multi_reduction <minimumf>, %select_n3A_316, %reduce_min3A_317 [1] : vector<1024x784xf32> to vector<1024xf32>
    %broadcast_in_dim3A_319 = vector.shape_cast %reduce_min3A_318 : vector<1024xf32> to vector<1024x1xf32>
    %eq3A_320 = vector.broadcast %broadcast_in_dim3A_319 : vector<1024x1xf32> to vector<1024x784xf32>
    %eq3A_321 = arith.cmpf oeq, %select_n3A_316, %eq3A_320 : vector<1024x784xf32>
    %jit3A_322 = arith.constant 1073741824 : i32
    %broadcast_in_dim3A_323 = vector.broadcast %jit3A_322 : i32 to vector<1024x784xi32>
    %select_n3A_324 = arith.select %eq3A_321, %iota3A, %broadcast_in_dim3A_323 : vector<1024x784xi1>, vector<1024x784xi32>
    %reduce_min3A_325 = arith.constant dense<2147483647> : vector<1024xi32>
    %reduce_min3A_326 = vector.multi_reduction <minsi>, %select_n3A_324, %reduce_min3A_325 [1] : vector<1024x784xi32> to vector<1024xi32>
    %broadcast_in_dim3A_327 = vector.shape_cast %reduce_min3A_326 : vector<1024xi32> to vector<1024x1xi32>
    %eq3A_328 = vector.broadcast %broadcast_in_dim3A_327 : vector<1024x1xi32> to vector<1024x784xi32>
    %eq3A_329 = arith.cmpi eq, %iota3A, %eq3A_328 : vector<1024x784xi32>
    %jit3A_330 = arith.constant 0x7F800000 : f32
    %broadcast_in_dim3A_331 = vector.broadcast %jit3A_330 : f32 to vector<1024x784xf32>
    %select_n3A_332 = arith.select %eq3A_329, %broadcast_in_dim3A_331, %select_n3A_316 : vector<1024x784xi1>, vector<1024x784xf32>
    %reduce_min3A_333 = arith.constant dense<0x7F800000> : vector<1024xf32>
    %reduce_min3A_334 = vector.multi_reduction <minimumf>, %select_n3A_332, %reduce_min3A_333 [1] : vector<1024x784xf32> to vector<1024xf32>
    %broadcast_in_dim3A_335 = vector.shape_cast %reduce_min3A_334 : vector<1024xf32> to vector<1024x1xf32>
    %eq3A_336 = vector.broadcast %broadcast_in_dim3A_335 : vector<1024x1xf32> to vector<1024x784xf32>
    %eq3A_337 = arith.cmpf oeq, %select_n3A_332, %eq3A_336 : vector<1024x784xf32>
    %jit3A_338 = arith.constant 1073741824 : i32
    %broadcast_in_dim3A_339 = vector.broadcast %jit3A_338 : i32 to vector<1024x784xi32>
    %select_n3A_340 = arith.select %eq3A_337, %iota3A, %broadcast_in_dim3A_339 : vector<1024x784xi1>, vector<1024x784xi32>
    %reduce_min3A_341 = arith.constant dense<2147483647> : vector<1024xi32>
    %reduce_min3A_342 = vector.multi_reduction <minsi>, %select_n3A_340, %reduce_min3A_341 [1] : vector<1024x784xi32> to vector<1024xi32>
    %broadcast_in_dim3A_343 = vector.shape_cast %reduce_min3A_342 : vector<1024xi32> to vector<1024x1xi32>
    %eq3A_344 = vector.broadcast %broadcast_in_dim3A_343 : vector<1024x1xi32> to vector<1024x784xi32>
    %eq3A_345 = arith.cmpi eq, %iota3A, %eq3A_344 : vector<1024x784xi32>
    %jit3A_346 = arith.constant 0x7F800000 : f32
    %broadcast_in_dim3A_347 = vector.broadcast %jit3A_346 : f32 to vector<1024x784xf32>
    %select_n3A_348 = arith.select %eq3A_345, %broadcast_in_dim3A_347, %select_n3A_332 : vector<1024x784xi1>, vector<1024x784xf32>
    %reduce_min3A_349 = arith.constant dense<0x7F800000> : vector<1024xf32>
    %reduce_min3A_350 = vector.multi_reduction <minimumf>, %select_n3A_348, %reduce_min3A_349 [1] : vector<1024x784xf32> to vector<1024xf32>
    %broadcast_in_dim3A_351 = vector.shape_cast %reduce_min3A_350 : vector<1024xf32> to vector<1024x1xf32>
    %eq3A_352 = vector.broadcast %broadcast_in_dim3A_351 : vector<1024x1xf32> to vector<1024x784xf32>
    %eq3A_353 = arith.cmpf oeq, %select_n3A_348, %eq3A_352 : vector<1024x784xf32>
    %jit3A_354 = arith.constant 1073741824 : i32
    %broadcast_in_dim3A_355 = vector.broadcast %jit3A_354 : i32 to vector<1024x784xi32>
    %select_n3A_356 = arith.select %eq3A_353, %iota3A, %broadcast_in_dim3A_355 : vector<1024x784xi1>, vector<1024x784xi32>
    %reduce_min3A_357 = arith.constant dense<2147483647> : vector<1024xi32>
    %reduce_min3A_358 = vector.multi_reduction <minsi>, %select_n3A_356, %reduce_min3A_357 [1] : vector<1024x784xi32> to vector<1024xi32>
    %broadcast_in_dim3A_359 = vector.shape_cast %reduce_min3A_358 : vector<1024xi32> to vector<1024x1xi32>
    %eq3A_360 = vector.broadcast %broadcast_in_dim3A_359 : vector<1024x1xi32> to vector<1024x784xi32>
    %eq3A_361 = arith.cmpi eq, %iota3A, %eq3A_360 : vector<1024x784xi32>
    %jit3A_362 = arith.constant 0x7F800000 : f32
    %broadcast_in_dim3A_363 = vector.broadcast %jit3A_362 : f32 to vector<1024x784xf32>
    %select_n3A_364 = arith.select %eq3A_361, %broadcast_in_dim3A_363, %select_n3A_348 : vector<1024x784xi1>, vector<1024x784xf32>
    %reduce_min3A_365 = arith.constant dense<0x7F800000> : vector<1024xf32>
    %reduce_min3A_366 = vector.multi_reduction <minimumf>, %select_n3A_364, %reduce_min3A_365 [1] : vector<1024x784xf32> to vector<1024xf32>
    %broadcast_in_dim3A_367 = vector.shape_cast %reduce_min3A_366 : vector<1024xf32> to vector<1024x1xf32>
    %eq3A_368 = vector.broadcast %broadcast_in_dim3A_367 : vector<1024x1xf32> to vector<1024x784xf32>
    %eq3A_369 = arith.cmpf oeq, %select_n3A_364, %eq3A_368 : vector<1024x784xf32>
    %jit3A_370 = arith.constant 1073741824 : i32
    %broadcast_in_dim3A_371 = vector.broadcast %jit3A_370 : i32 to vector<1024x784xi32>
    %select_n3A_372 = arith.select %eq3A_369, %iota3A, %broadcast_in_dim3A_371 : vector<1024x784xi1>, vector<1024x784xi32>
    %reduce_min3A_373 = arith.constant dense<2147483647> : vector<1024xi32>
    %reduce_min3A_374 = vector.multi_reduction <minsi>, %select_n3A_372, %reduce_min3A_373 [1] : vector<1024x784xi32> to vector<1024xi32>
    %broadcast_in_dim3A_375 = vector.shape_cast %reduce_min3A_374 : vector<1024xi32> to vector<1024x1xi32>
    %concatenate3A = tpu.concatenate %broadcast_in_dim3A_7, %broadcast_in_dim3A_23, %broadcast_in_dim3A_39, %broadcast_in_dim3A_55, %broadcast_in_dim3A_71, %broadcast_in_dim3A_87, %broadcast_in_dim3A_103, %broadcast_in_dim3A_119, %broadcast_in_dim3A_135, %broadcast_in_dim3A_151, %broadcast_in_dim3A_167, %broadcast_in_dim3A_183, %broadcast_in_dim3A_199, %broadcast_in_dim3A_215, %broadcast_in_dim3A_231, %broadcast_in_dim3A_247, %broadcast_in_dim3A_263, %broadcast_in_dim3A_279, %broadcast_in_dim3A_295, %broadcast_in_dim3A_311, %broadcast_in_dim3A_327, %broadcast_in_dim3A_343, %broadcast_in_dim3A_359, %broadcast_in_dim3A_375 in 1 : vector<1024x1xi32>, vector<1024x1xi32>, vector<1024x1xi32>, vector<1024x1xi32>, vector<1024x1xi32>, vector<1024x1xi32>, vector<1024x1xi32>, vector<1024x1xi32>, vector<1024x1xi32>, vector<1024x1xi32>, vector<1024x1xi32>, vector<1024x1xi32>, vector<1024x1xi32>, vector<1024x1xi32>, vector<1024x1xi32>, vector<1024x1xi32>, vector<1024x1xi32>, vector<1024x1xi32>, vector<1024x1xi32>, vector<1024x1xi32>, vector<1024x1xi32>, vector<1024x1xi32>, vector<1024x1xi32>, vector<1024x1xi32> -> vector<1024x24xi32>
    %swap3A = arith.constant 0 : index
    %swap3A_376 = arith.constant 0 : index
    %swap3A_377 = vector.load %arg1[%swap3A, %swap3A_376] : memref<1024x24xi32, #tpu.memory_space<vmem>>, vector<1024x24xi32>
    tpu.vector_store %arg1[%swap3A, %swap3A_376], %concatenate3A {strides = array<i32>} : memref<1024x24xi32, #tpu.memory_space<vmem>>, vector<1024x24xi32>,
    %concatenate3A_378 = tpu.concatenate %broadcast_in_dim3A, %broadcast_in_dim3A_15, %broadcast_in_dim3A_31, %broadcast_in_dim3A_47, %broadcast_in_dim3A_63, %broadcast_in_dim3A_79, %broadcast_in_dim3A_95, %broadcast_in_dim3A_111, %broadcast_in_dim3A_127, %broadcast_in_dim3A_143, %broadcast_in_dim3A_159, %broadcast_in_dim3A_175, %broadcast_in_dim3A_191, %broadcast_in_dim3A_207, %broadcast_in_dim3A_223, %broadcast_in_dim3A_239, %broadcast_in_dim3A_255, %broadcast_in_dim3A_271, %broadcast_in_dim3A_287, %broadcast_in_dim3A_303, %broadcast_in_dim3A_319, %broadcast_in_dim3A_335, %broadcast_in_dim3A_351, %broadcast_in_dim3A_367 in 1 : vector<1024x1xf32>, vector<1024x1xf32>, vector<1024x1xf32>, vector<1024x1xf32>, vector<1024x1xf32>, vector<1024x1xf32>, vector<1024x1xf32>, vector<1024x1xf32>, vector<1024x1xf32>, vector<1024x1xf32>, vector<1024x1xf32>, vector<1024x1xf32>, vector<1024x1xf32>, vector<1024x1xf32>, vector<1024x1xf32>, vector<1024x1xf32>, vector<1024x1xf32>, vector<1024x1xf32>, vector<1024x1xf32>, vector<1024x1xf32>, vector<1024x1xf32>, vector<1024x1xf32>, vector<1024x1xf32>, vector<1024x1xf32> -> vector<1024x24xf32>
    %swap3A_379 = arith.constant 0 : index
    %swap3A_380 = arith.constant 0 : index
    %swap3A_381 = vector.load %arg2[%swap3A_379, %swap3A_380] : memref<1024x24xf32, #tpu.memory_space<vmem>>, vector<1024x24xf32>
    tpu.vector_store %arg2[%swap3A_379, %swap3A_380], %concatenate3A_378 {strides = array<i32>} : memref<1024x24xf32, #tpu.memory_space<vmem>>, vector<1024x24xf32>,
    return
  }
}

</mosaic_0001>

<sc_bundles>
// kernel: kernel.5.cloned.1.call-start
scs
__scs_entry_jumppad:
0x0: {  	(pc) =	sbr.rel $0x88, $3  }
0x1: {  	(tag) =	ssettag $0x0;
	lr =	simm.s32 $0x1  }
0x2: {  	[smem:$0x3F9E] =	sst lr;
	_ =	strace $0xD0000000  }
0x3: {  	_ = 	snop  }
0x4: {  	_ = 	snop  }
0x5: {  	_ = 	snop  }
0x6: {  	_ = 	snop  }
0x7: {  	_ = 	snop  }
__scs_overlays_trampoline_lowered:
0x8: {  	[smem:$0x3FAD] =	sst s0  }
0x9: {  	[smem:$0x3FAE] =	sst s1  }
0xa: {  	[smem:$0x3FAF] =	sst s2  }
0xb: {  	[smem:$0x3FB0] =	sst s3  }
0xc: {  	[smem:$0x3FB1] =	sst s4  }
0xd: {  	[smem:$0x3FB2] =	sst s5  }
0xe: {  	[smem:$0x3FB3] =	sst s6  }
0xf: {  	[smem:$0x3FB4] =	sst s7  }
0x10: {  	[smem:$0x3FB5] =	sst s8  }
0x11: {  	[smem:$0x3FB6] =	sst s9;
	s0 =	simm.s32 @!p0 $0x0  }
0x12: {  	s1 =	sld [smem:$0x3F9C];
	s0 =	simm.s32 @p0 $0x1  }
0x13: {  	[smem:$0x3FB7] =	sst s0;
	s0 =	simm.s32 @!p1 $0x0  }
0x14: {  	s2 =	sld [smem:$0x3F9B];
	s0 =	simm.s32 @p1 $0x1  }
0x15: {  	[smem:$0x3FB8] =	sst s0;
	s0 =	simm.s32 @!p2 $0x0  }
0x16: {  	s3 =	sld [smem:$0x3FDB];
	s0 =	simm.s32 @p2 $0x1  }
0x17: {  	s4 =	simm.s32 $0x1BF5;
	[smem:$0x3FBA] =	sst s0  }
0x18: {  	s0 =	sld [smem:$0x3F9D];
	_ =	swait.ge [sflag:s4], $0x0  }
0x19: {  	s7 =	sld [smem:$0x3F9E]  }
0x1a: {  	s8 =	sadd.s32 $0xFFFFE003, lr  }
0x1b: {  	s9 =	sadd.s32 $0xFFFFFEF7, lr;
	s5 =	simm.s32 $0xFFFFFFFF;
	p2 =	slt.u32 s8, $0xFFFFF086  }
0x1c: {  	p1 =	slt.u32 s9, $0xF7A;
	s5 =	simm.s32 @!p2 $0x0  }
0x1d: {  	s5 =	simm.s32 @p1 $0x1;
	p0 =	seq.s32 s7, s2  }
0x1e: {  	s7 =	smul.u32 @!p0 $0xF7A, s2;
	p2 =	seq.s32 @!p0 s5, $0x0  }
0x1f: {  	s9 =	smul.u32 $0xF7A, s1;
	s8 =	simm.s32 @!p0 $0x1BF5;
	p2 =	por !p2, p0  }
0x20: {  	[sflag:s8] =	ssyncset.s32 @!p0 $0xFFFFF086;
	s6 =	sadd.s32 @!p0 s3, s7;
	s7 =	simm.s32 @!p0 $0x108  }
0x21: {  	s3 =	sadd.s32 s3, s9;
	s6 =	sadd.s32 @!p0 $0x88, s6;
	s7 =	simm.s32 @p2 $0x1082  }
0x22: {  	[simem:s7], [sflag:s8] =	dma.local @!p0 [hbm:s6], $0xF7A  }
0x23: {  	s9 =	sor.u32 $0xD0000000, s2;
	s6 =	simm.s32 $0x108;
	_ =	swait.ge @!p0 [sflag:s8], $0x0  }
0x24: {  	s3 =	sadd.s32 $0x88, s3;
	s6 =	simm.s32 @!p1 $0x1082;
	[sflag:s4] =	ssyncset.s32 $0xFFFFF086  }
0x25: {  	[simem:s6], [sflag:s4] =	dma.local [hbm:s3], $0xF7A  }
0x26: {  	[smem:$0x3F9E] =	sst s1;
	(tag) =	ssettag s2;
	_ =	strace s9  }
0x27: {  	s1 =	sld [smem:$0x3FAE]  }
0x28: {  	s2 =	sld [smem:$0x3FAF]  }
0x29: {  	s4 =	sld [smem:$0x3FB1]  }
0x2a: {  	p0 =	seq.s32 s5, $0x0;
	s5 =	sld [smem:$0x3FB2]  }
0x2b: {  	s6 =	sld [smem:$0x3FB3]  }
0x2c: {  	s7 =	sld [smem:$0x3FB4]  }
0x2d: {  	s3 =	simm.s32 $0x108;
	s8 =	sld [smem:$0x3FB5]  }
0x2e: {  	s3 =	simm.s32 @!p0 $0x1082;
	s9 =	sld [smem:$0x3FB6]  }
0x2f: {  	lr =	sadd.s32 s0, s3;
	s0 =	sld [smem:$0x3FAD]  }
0x30: {  	s3 =	sld [smem:$0x3FB0]  }
0x31: {  	[smem:$0x3FB9] =	sst s10  }
0x32: {  	s10 =	sld [smem:$0x3FB7];
	_ =	sdelay $0x3  }
0x33: {  	p0 =	seq.s32 s10, $0x1;
	s10 =	sld [smem:$0x3FB9];
	_ =	sdelay $0x3  }
0x34: {  	[smem:$0x3FB9] =	sst s10  }
0x35: {  	s10 =	sld [smem:$0x3FB8];
	_ =	sdelay $0x3  }
0x36: {  	p1 =	seq.s32 s10, $0x1;
	s10 =	sld [smem:$0x3FB9];
	_ =	sdelay $0x3  }
0x37: {  	[smem:$0x3FB9] =	sst s10  }
0x38: {  	s10 =	sld [smem:$0x3FBA]  }
0x39: {  	_ = 	snop;
	(pc) =	sbr.ind lr, $3  }
0x3a: {  	_ = 	snop  }
0x3b: {  	_ = 	snop  }
0x3c: {  	p2 =	seq.s32 s10, $0x1;
	s10 =	sld [smem:$0x3FB9]  }
0x3d: {  	_ =	shalt  }
0x3e: {  	_ =	shalt  }
0x3f: {  	_ =	shalt  }
0x40: {  	_ =	shalt  }
0x41: {  	_ =	shalt  }
0x42: {  	_ =	shalt  }
0x43: {  	_ =	shalt  }
0x44: {  	_ =	shalt  }
0x45: {  	_ =	shalt  }
0x46: {  	_ =	shalt  }
0x47: {  	_ =	shalt  }
0x48: {  	_ =	shalt  }
0x49: {  	_ =	shalt  }
0x4a: {  	_ =	shalt  }
0x4b: {  	_ =	shalt  }
0x4c: {  	_ =	shalt  }
0x4d: {  	_ =	shalt  }
0x4e: {  	_ =	shalt  }
0x4f: {  	_ =	shalt  }
0x50: {  	_ =	shalt  }
0x51: {  	_ =	shalt  }
0x52: {  	_ =	shalt  }
0x53: {  	_ =	shalt  }
0x54: {  	_ =	shalt  }
0x55: {  	_ =	shalt  }
0x56: {  	_ =	shalt  }
0x57: {  	_ =	shalt  }
0x58: {  	_ =	shalt  }
0x59: {  	_ =	shalt  }
0x5a: {  	_ =	shalt  }
0x5b: {  	_ =	shalt  }
0x5c: {  	_ =	shalt  }
0x5d: {  	_ =	shalt  }
0x5e: {  	_ =	shalt  }
0x5f: {  	_ =	shalt  }
0x60: {  	_ =	shalt  }
0x61: {  	_ =	shalt  }
0x62: {  	_ =	shalt  }
0x63: {  	_ =	shalt  }
0x64: {  	_ =	shalt  }
0x65: {  	_ =	shalt  }
0x66: {  	_ =	shalt  }
0x67: {  	_ =	shalt  }
0x68: {  	_ =	shalt  }
0x69: {  	_ =	shalt  }
0x6a: {  	_ =	shalt  }
0x6b: {  	_ =	shalt  }
0x6c: {  	_ =	shalt  }
0x6d: {  	_ =	shalt  }
0x6e: {  	_ =	shalt  }
0x6f: {  	_ =	shalt  }
0x70: {  	_ =	shalt  }
0x71: {  	_ =	shalt  }
0x72: {  	_ =	shalt  }
0x73: {  	_ =	shalt  }
0x74: {  	_ =	shalt  }
0x75: {  	_ =	shalt  }
0x76: {  	_ =	shalt  }
0x77: {  	_ =	shalt  }
0x78: {  	_ =	shalt  }
0x79: {  	_ =	shalt  }
0x7a: {  	_ =	shalt  }
0x7b: {  	_ =	shalt  }
0x7c: {  	_ =	shalt  }
0x7d: {  	_ =	shalt  }
0x7e: {  	_ =	shalt  }
0x7f: {  	_ =	shalt  }
0x80: {  	_ =	shalt  }
0x81: {  	_ =	shalt  }
0x82: {  	_ =	shalt  }
0x83: {  	_ =	shalt  }
0x84: {  	_ =	shalt  }
0x85: {  	_ =	shalt  }
0x86: {  	_ =	shalt  }
0x87: {  	_ =	shalt  }
.Lfunc_end0:
.L_simem_size_0:
called_computation_lowered:
.L_overlay_start_0:
0x88: {  	s2 =	sld [smem:$0x3FD9]  }
0x89: {  	s3 =	sld [smem:$0x3FFE];
	_ =	sdelay $0x1  }
0x8a: {  	s1 =	srdreg.scid  }
0x8b: {  	s0 =	sand.u32 $0x1, s1  }
0x8c: {  	s17 =	sshll.u32 s0, $0xA;
	s2 =	sadd.s32 s3, s2  }
0x8d: {  	s2 =	sadd.s32 s2, s17  }
0x8e: {  	[smem:$0x3FC5] =	sst s2  }
0x8f: {  	_ = 	snop  }
0x90: {  	s2 =	sld [smem:$0x3FD0];
	(tm) =	ssettm $0x1  }
0x91: {  	s18 =	sld [smem:$0x3FFB];
	_ =	sdelay $0x3  }
0x92: {  	_ =	strace s18  }
0x93: {  	s3 =	sld [smem:$0x3FFC];
	_ =	sdelay $0x3  }
0x94: {  	_ =	strace s3  }
0x95: {  	s3 =	sld [smem:$0x3FFD];
	_ =	sdelay $0x3  }
0x96: {  	_ =	strace s3  }
0x97: {  	_ =	strace $0x8FFFFFFF  }
0x98: {  	s19 =	sld [smem:$0x3FDB];
	_ =	sdelay $0x1  }
0x99: {  	s4 =	simm.s32 $_scs_section_size  }
0x9a: {  	s5 =	simm.s32 $_size__tile_overlayer_lowered;
	s6 =	simm.s32 $_tile_overlayer_lowered  }
0x9b: {  	s22 =	simm.s32 $0x1BFF;
	s21 =	sshll.u32 s6, $0x1;
	s3 =	sadd.s32 s4, s19  }
0x9c: {  	s7 =	simm.s32 $0x0;
	s20 =	sshll.u32 s5, $0x1;
	s5 =	sadd.s32 s21, s3  }
0x9d: {  	[timem:s7], [sflag:s22] =	dma.local [hbm:s5], s20  }
0x9e: {  	_ =	swait.ge [sflag:s22], s20  }
0x9f: {  	s4 =	ssub.s32 $0x0, s20;
	[sflag:s22] =	ssyncset.done $0x0  }
0xa0: {  	[sflag:s22] =	ssyncadd.s32 s4;
	_ =	sdelay $0x1  }
0xa1: {  	s23 =	simm.s32 $0x1B8B  }
0xa2: {  	_ =	swait.ge [sflag:s23], $0x1  }
0xa3: {  	[sflag:s23] =	ssyncset.done $0x0  }
0xa4: {  	s25 =	simm.s32 $0x1B8E;
	s24 =	sld [smem:$0x3FFE];
	[sflag:s23] =	ssyncadd.s32 $0xFFFFFFFF  }
0xa5: {  	s26 =	simm.s32 $execute0_lowered;
	[smem:$0x3FD2] =	sst s25  }
0xa6: {  	s5 =	sshll.u32 s26, $0x1;
	_ =	strace $0x80000046;
	[dreg:$0x1] =	wrdreg $0xFFFFFFFF  }
0xa7: {  	s28 =	simm.s32 $_size_execute0_lowered;
	s3 =	sadd.s32 s3, s5;
	[dreg:$0x0] =	wrdreg $0x0  }
0xa8: {  	s5 =	sshll.u32 s28, $0x1;
	[dreg:$0x2] =	wrdreg s3  }
0xa9: {  	[dreg:$0x3] =	wrdreg s5  }
0xaa: {  	[dreg:$0x4] =	wrdreg $0xC0  }
0xab: {  	_ =	task [dreg:s7], $0x5FFFF  }
0xac: {  	[dreg:$0x1] =	wrdreg $0xFFFFFFFF  }
0xad: {  	[dreg:$0x0] =	wrdreg $0x60  }
0xae: {  	[dreg:$0x2] =	wrdreg s24  }
0xaf: {  	[dreg:$0x3] =	wrdreg s2  }
0xb0: {  	[dreg:$0x4] =	wrdreg $0x9  }
0xb1: {  	_ =	task.clear_ibuf [dreg:s7], $0x5FFFF;
	_ =	strace $0x90000046  }
0xb2: {  	s29 =	simm.s32 $0x9;
	_ =	strace $0x80000048  }
0xb3: {  	_ =	swait.ge [sflag:s29], $0x1  }
0xb4: {  	[sflag:s29] =	ssyncadd.s32 $0xFFFFFFFF  }
0xb5: {  	_ =	strace $0x90000048  }
0xb6: {  	_ =	sfence  }
0xb7: {  	s30 =	sld [smem:$0x0];
	_ =	sdelay $0x2  }
0xb8: {  	s31 =	sshll.u32 s1, $0xD;
	s1 =	sshrl.u32 s1, $0x2  }
0xb9: {  	s3 =	sand.u32 $0x4000, s31;
	s1 =	sadd.s32 s1, s30  }
0xba: {  	s0 =	sor.u32 s3, s0;
	s1 =	sshll.u32 s1, $0x11  }
0xbb: {  	s0 =	sor.u32 s1, s0  }
0xbc: {  	s0 =	sadd.s32 $0x8F2B, s0  }
0xbd: {  	[sflag:s0] =	ssyncadd.remote.s32 $0x1  }
0xbe: {  	_ =	sfence.sel $0xFFFF  }
0xbf: {  	[dreg:$0x0] =	wrdreg $0xFFFFFFFF;
	(pc) =	sbr.abs _section_cstart, $3  }
0xc0: {  	[dreg:$0x1] =	wrdreg $0xFFFFFFFF  }
0xc1: {  	_ =	task.clear_ibuf [dreg:s7], $0x2FFFF;
	_ =	strace $0x9FFFFFFF  }
0xc2: {  	(tm) =	ssettm $0x7FFFFFFF  }
0xc3: {  	_ =	shalt  }
tec
execute0_lowered:
.L_overlay_start_1:
0x0: {  	(tag) =	ssettag $0x1  }
0x1: {  	s5 =	rddreg [dreg:$0x0]  }
0x2: {  	s8 =	rddreg [dreg:$0x1];
	s2 =	srdreg.scid  }
0x3: {  	s0 =	rddreg [dreg:$0x2];
	s1 =	stileid.u32;
	s12 =	simm.s32 $0x19800  }
0x4: {  	s13 =	simm.s32 $0x1A800;
	s14 =	simm.s32 $0x1AC00;
	s15 =	simm.s32 $0x1  }
0x5: {  	s16 =	simm.s32 $0x1C000;
	s17 =	simm.s32 $0x0;
	s4 =	sand.u32 $0x1, s2  }
0x6: {  	v1 =	vlaneseq.u32;
	vm0 =	vmmov $0xffff;
	s2 =	simm.s32 $0x0;
	s3 =	sshll.u32 s1, $0x6;
	s6 =	sshll.u32 s4, $0x5  }
0x7: {  	v3 =	vimm.s32 $0x0;
	v4 =	vimm.s32 $0x1;
	v5 =	vimm.s32 $0x2;
	[smem:$0x7FF] =	sst s2;
	s7 =	ssub.s32 $0x2, s4;
	s4 =	sadd.s32 $0x24D000, s5  }
.Ltmp0:
0x8: {  	v6 =	vimm.s32 $0x3;
	v7 =	vimm.s32 $0x4;
	v8 =	vimm.s32 $0x5;
	s3 =	sor.u32 s6, s3;
	s31 =	sshrl.u32 s7, $0x1;
	(pc) =	sbr.rel .LBB2_1-.Ltmp0, $4  }
0x9: {  	v9 =	vimm.s32 $0x6;
	v10 =	vimm.s32 $0x7;
	v11 =	vimm.s32 $0x8;
	_ =	strace $0x80000047;
	s6 =	sshll.u32 s3, $0x4;
	s10 =	ssub.s32 s7, s31  }
0xa: {  	v12 =	vimm.s32 $0x9;
	v13 =	vimm.s32 $0xA;
	v14 =	vimm.s32 $0xB;
	s11 =	sshrl.u32 s3, $0x3;
	s9 =	sadd.s32 s6, s5;
	s5 =	sadd.s32 $0x9000, s5  }
0xb: {  	v15 =	vimm.s32 $0xC;
	v16 =	vimm.s32 $0xD;
	v17 =	vimm.s32 $0xE;
	s8 =	sadd.s32 s8, s11;
	s11 =	simm.s32 $0x18800;
	s6 =	sadd.s32 $0x5000, s9  }
0xc: {  	v18 =	vimm.s32 $0xF;
	v2 =	vadd.s32 $0x8, v1;
	v0 =	vmov s3;
	s7 =	sadd.s32 $0x1000, s9;
	s9 =	smax.u32 s10, $0x1;
	s10 =	simm.s32 $0x2  }
.LBB2_9:
0xd: {  	s17 =	sadd.s32 $0x1, s17  }
0xe: {  	p0 =	sne.s32 s17, s9  }
.Ltmp1:
0xf: {  	_ = 	snop;
	(pc) =	sbr.rel @!p0 .LBB2_10-.Ltmp1, $4  }
0x10: {  	[hbm4b:s8+s2] =	stream.linear.scatter [tilespmem:s16], [sflag:$0x2], $0x20, $0x38;
	[tilespmem:$0x1C080] =	vst v63  }
0x11: {  	_ =	swait.ge [sflag:s10], $0x20  }
0x12: {  	[sflag:s10] =	ssyncset.done $0x0  }
0x13: {  	[sflag:s10] =	ssyncadd.s32 $0xFFFFFFE0  }
.LBB2_1:
0x14: {  	[tilespmem:s2], [sflag:$0x2] =	stream.linear.gather [hbm4b:s5+s2], $0x18800, $0x38;
	[tilespmem:$0x1C080] =	vst v63  }
0x15: {  	_ =	swait.ge [sflag:s10], $0x18800  }
0x16: {  	[sflag:s10] =	ssyncset.done $0x0  }
0x17: {  	[sflag:s10] =	ssyncadd.s32 $0xFFFE7800  }
0x18: {  	[tilespmem:s11], [sflag:$0x2] =	stream.linear.gather [hbm4b:s6+s2], $0x1000, $0x38;
	[tilespmem:$0x1C080] =	vst v63  }
0x19: {  	_ =	swait.ge [sflag:s10], $0x1000  }
0x1a: {  	[sflag:s10] =	ssyncset.done $0x0  }
0x1b: {  	[sflag:s10] =	ssyncadd.s32 $0xFFFFF000  }
0x1c: {  	[tilespmem:s12], [sflag:$0x2] =	stream.linear.gather [hbm4b:s7+s2], $0x1000, $0x38;
	[tilespmem:$0x1C080] =	vst v63  }
0x1d: {  	_ =	swait.ge [sflag:s10], $0x1000  }
0x1e: {  	[sflag:s10] =	ssyncset.done $0x0  }
0x1f: {  	[sflag:s10] =	ssyncadd.s32 $0xFFFFF000  }
0x20: {  	v19 =	vld.idx.msk [tilespmem:v1+s11+$0x0], $0xffff;
	_ =	sdelay $0x1  }
0x21: {  	v20 =	vld.idx.msk [tilespmem:v2+s11+$0x0], $0xffff;
	_ =	sdelay $0x2  }
0x22: {  	v19 =	vshll.u32 v19, $0xA  }
0x23: {  	v19 =	vor.u32 v0, v19  }
0x24: {  	v20 =	vshll.u32 v20, $0xA  }
0x25: {  	v20 =	vor.u32 v0, v20  }
.Ltmp2:
0x26: {  	_ = 	snop;
	(pc) =	sbr.rel .LBB2_2-.Ltmp2, $4  }
0x27: {  	_ = 	snop  }
0x28: {  	[tilespmem:s13], [sflag:$0x1] =	stream.indirect_vreg.gather [hbm4b:s4+s2], $0x80, v19, vm0, $0xb8;
	[tilespmem:$0x1C080] =	vst v63  }
0x29: {  	s18 =	simm.s32 $0x0  }
0x2a: {  	[tilespmem:s14], [sflag:$0x1] =	stream.indirect_vreg.gather [hbm4b:s4+s2], $0x80, v20, vm0, $0xb8;
	[tilespmem:$0x1C080] =	vst v63  }
.LBB2_8:
0x2b: {  	_ =	sdelay $0x3  }
0x2c: {  	v20 =	vld.idx.msk [tilespmem:v22+s2+$0x0], $0xffff;
	_ =	sdelay $0x4  }
0x2d: {  	v21 =	vperm.xlane v20, v3  }
0x2e: {  	v22 =	vperm.xlane v20, v4;
	v38 =	vperm.xlane v20, v5  }
0x2f: {  	v24 =	vperm.xlane v20, v6;
	v40 =	vperm.xlane v20, v7  }
0x30: {  	v42 =	vperm.xlane v20, v8;
	v44 =	vperm.xlane v20, v9  }
0x31: {  	v46 =	vperm.xlane v20, v10;
	v48 =	vperm.xlane v20, v11  }
0x32: {  	v50 =	vperm.xlane v20, v12;
	v52 =	vperm.xlane v20, v13  }
0x33: {  	v54 =	vperm.xlane v20, v14;
	v56 =	vperm.xlane v20, v15  }
0x34: {  	v58 =	vperm.xlane v20, v16;
	v59 =	vperm.xlane v20, v17  }
0x35: {  	v60 =	vperm.xlane v20, v18;
	vm1 =	veq.s32 v20, v21;
	vm2 =	veq.s32 v20, v22  }
0x36: {  	v39 =	vsel vm1, $0x1, v3;
	v23 =	vsel vm2, $0x1, v3;
	vm1 =	veq.s32 v20, v38  }
0x37: {  	v22 =	vadd.s32 v39, v23;
	v21 =	vsel vm1, $0x1, v3;
	vm1 =	veq.s32 v20, v24  }
0x38: {  	v21 =	vadd.s32 v21, v22;
	v41 =	vsel vm1, $0x1, v3;
	vm1 =	veq.s32 v20, v40  }
0x39: {  	v21 =	vadd.s32 v41, v21;
	v43 =	vsel vm1, $0x1, v3;
	vm1 =	veq.s32 v20, v42  }
0x3a: {  	v21 =	vadd.s32 v43, v21;
	v45 =	vsel vm1, $0x1, v3;
	vm1 =	veq.s32 v20, v44  }
0x3b: {  	v21 =	vadd.s32 v45, v21;
	v47 =	vsel vm1, $0x1, v3;
	vm1 =	veq.s32 v20, v46  }
0x3c: {  	v21 =	vadd.s32 v47, v21;
	v49 =	vsel vm1, $0x1, v3;
	vm1 =	veq.s32 v20, v48  }
0x3d: {  	v21 =	vadd.s32 v49, v21;
	v51 =	vsel vm1, $0x1, v3;
	vm1 =	veq.s32 v20, v50  }
0x3e: {  	v21 =	vadd.s32 v51, v21;
	v53 =	vsel vm1, $0x1, v3;
	vm1 =	veq.s32 v20, v52  }
0x3f: {  	v21 =	vadd.s32 v53, v21;
	v55 =	vsel vm1, $0x1, v3;
	vm1 =	veq.s32 v20, v54  }
0x40: {  	v21 =	vadd.s32 v55, v21;
	v57 =	vsel vm1, $0x1, v3;
	vm1 =	veq.s32 v20, v56  }
0x41: {  	v21 =	vadd.s32 v57, v21;
	v23 =	vsel vm1, $0x1, v3;
	vm1 =	veq.s32 v20, v58  }
0x42: {  	v21 =	vadd.s32 v23, v21;
	v61 =	vsel vm1, $0x1, v3;
	vm1 =	veq.s32 v20, v59  }
0x43: {  	v21 =	vadd.s32 v61, v21;
	v22 =	vsel vm1, $0x1, v3;
	vm1 =	veq.s32 v20, v60  }
0x44: {  	v21 =	vadd.s32 v22, v21;
	v62 =	vsel vm1, $0x1, v3  }
0x45: {  	v21 =	vadd.s32 v62, v21  }
0x46: {  	v21 =	vshll.u32 v21, $0x7  }
0x47: {  	v21 =	vsub.s32 v21, v20  }
0x48: {  	v63 =	vxor.u32 $0x80000000, v21  }
0x49: {  	(xrf0) =	vmax.scan.msk.u32 $0xffff, v63;
	_ =	sdelay $0x5  }
0x4a: {  	v22, _, _ =	vpop (xrf0)  }
0x4b: {  	(v2sf) =	vpush v22, $0xF;
	_ =	sdelay $0xe  }
0x4c: {  	s19 =	spop (v2sf)  }
0x4d: {  	s19 =	sxor.u32 $0x80000000, s19  }
0x4e: {  	v20 =	vxor.u32 $0x80000000, v20;
	vm1 =	veq.s32 v21, s19  }
0x4f: {  	v20 =	vnsel vm1, $0x7FFFFFFF, v20  }
0x50: {  	(xrf0) =	vmax.scan.msk.u32 $0xffff, v20;
	_ =	sdelay $0x5  }
0x51: {  	v20, _, _ =	vpop (xrf0)  }
0x52: {  	(v2sf) =	vpush v20, $0xF;
	_ =	sdelay $0xc  }
0x53: {  	p0 =	sne.s32 s18, $0x20  }
.Ltmp3:
0x54: {  	_ = 	snop;
	(pc) =	sbr.rel @!p0 .LBB2_9-.Ltmp3, $4  }
0x55: {  	s31 =	spop (v2sf)  }
0x56: {  	s19 =	sxor.u32 $0x80000000, s31  }
0x57: {  	v20 =	vmov s19  }
0x58: {  	[tilespmem:v19+s16+$0x0] =	vst.idx.msk $0x1, v20  }
.LBB2_2:
0x59: {  	s19 =	smov.u32 s18  }
0x5a: {  	s18 =	sadd.s32 $0x1, s18;
	p0 =	seq.s32 s19, $0x1F  }
0x5b: {  	_ =	swait.ge [sflag:s15], $0x800;
	s20 =	sshll.u32 @!p0 s18, $0x7;
	v19 =	vlaneseq.u32 @!p0  }
0x5c: {  	[sflag:s15] =	ssyncset.done $0x0;
	v20 =	vor.u32 @!p0 s20, v19  }
0x5d: {  	[sflag:s15] =	ssyncadd.s32 $0xFFFFF800;
	v19 =	vadd.s32 @!p0 $0x8, v19  }
0x5e: {  	_ =	swait.ge [sflag:s15], $0x800;
	v19 =	vor.u32 @!p0 s20, v19  }
0x5f: {  	[sflag:s15] =	ssyncset.done $0x0  }
0x60: {  	s20 =	simm.s32 @!p0 $0x18800;
	[sflag:s15] =	ssyncadd.s32 $0xFFFFF800  }
0x61: {  	v20 =	vld.idx.msk @!p0 [tilespmem:v20+s20+$0x0], $0xffff;
	_ =	sdelay $0x1  }
0x62: {  	v19 =	vld.idx.msk @!p0 [tilespmem:v19+s20+$0x0], $0xffff;
	_ =	sdelay $0x2  }
0x63: {  	s21 =	sadd.s32 @!p0 s3, s18;
	s20 =	sand.u32 $0x1, s19;
	v20 =	vshll.u32 @!p0 v20, $0xA  }
0x64: {  	s22 =	sxor.u32 @!p0 $0x1, s20;
	v20 =	vadd.s32 @!p0 s21, v20  }
0x65: {  	s22 =	smul.u32 @!p0 $0x3000, s22;
	v19 =	vshll.u32 @!p0 v19, $0xA  }
0x66: {  	v19 =	vadd.s32 @!p0 s21, v19  }
0x67: {  	s21 =	sshrl.u32 @!p0 s22, $0x2  }
.Ltmp4:
0x68: {  	vm1 =	vmmov @!p0 $0xffff;
	s23 =	simm.s32 @!p0 $0x0;
	s22 =	sadd.s32 @!p0 $0x1A800, s21;
	(pc) =	sbr.rel .LBB2_3-.Ltmp4, $4  }
0x69: {  	[tilespmem:s22], [sflag:$0x1] =	stream.indirect_vreg.gather @!p0 [hbm4b:s4+s23], $0x80, v20, vm1, $0xb8;
	v20 =	vmov s20;
	[tilespmem:$0x1C080] =	vst v63  }
0x6a: {  	s21 =	sadd.s32 @!p0 $0x1AC00, s21;
	v21 =	vmul.u32 $0xC00, v20  }
0x6b: {  	v23 =	vimm.f32 $+Inf;
	[tilespmem:s21], [sflag:$0x1] =	stream.indirect_vreg.gather @!p0 [hbm4b:s4+s23], $0x80, v19, vm1, $0xb8;
	v19 =	vmov s19;
	[tilespmem:$0x1C080] =	vst v63  }
0x6c: {  	v22 =	vimm.s32 $0x0;
	s20 =	simm.f32 $+Inf;
	s19 =	simm.s32 $0x0;
	v20 =	vshll.u32 v19, $0x7;
	v21 =	vbroadcast v21, $0x0  }
.LBB2_6:
0x6d: {  	_ =	sdelay $0x7  }
0x6e: {  	v24, v25, _ =	vpop @p0 (xrf1)  }
0x6f: {  	(xrf0) =	vmax.scan.msk.f32 @p0 $0xffff, v24;
	_ =	sdelay $0x5  }
0x70: {  	v26, _, _ =	vpop @p0 (xrf0)  }
0x71: {  	(v2sf) =	vpush @p0 v26, $0xF;
	_ =	sdelay $0xe  }
0x72: {  	s21 =	spop @p0 (v2sf)  }
0x73: {  	v23 =	vpsel p0, v24, v23;
	v22 =	vpsel p0, v25, v22;
	s20 =	smov.u32 @p0 s21  }
.LBB2_7:
0x74: {  	s19 =	sadd.s32 $0x1, s19  }
0x75: {  	p0 =	sne.s32 s19, $0x18  }
.Ltmp5:
0x76: {  	_ = 	snop;
	(pc) =	sbr.rel @!p0 .LBB2_8-.Ltmp5, $1  }
0x77: {  	_ =	sdelay $0x3  }
.LBB2_3:
0x78: {  	v25 =	vadd.s32 s19, v20;
	_ =	sdelay $0x4  }
0x79: {  	v24 =	vld.idx.msk [tilespmem:v25+s12+$0x0], $0xffff;
	_ =	sdelay $0x4  }
0x7a: {  	(xrf0) =	vmin.scan.msk.f32 $0xffff, v24;
	_ =	sdelay $0x5  }
0x7b: {  	v24, _, _ =	vpop (xrf0)  }
0x7c: {  	(v2sf) =	vpush v24, $0xF;
	_ =	sdelay $0xe  }
0x7d: {  	s21 =	spop (v2sf)  }
0x7e: {  	p0 =	slt.f32 s21, s20  }
.Ltmp6:
0x7f: {  	_ = 	snop;
	(pc) =	sbr.rel @!p0 .LBB2_7-.Ltmp6, $1  }
0x80: {  	_ =	sdelay $0x3  }
0x81: {  	v24 =	vmov s19  }
0x82: {  	s21 =	simm.s32 $0x0;
	v24 =	vshll.u32 v24, $0x7  }
0x83: {  	v26 =	vor.u32 s21, v1;
	v24 =	vadd.s32 v21, v24  }
0x84: {  	v27 =	vadd.s32 v24, v26;
	_ =	sdelay $0x4  }
0x85: {  	v27 =	vld.idx.msk [tilespmem:v27+s13+$0x0], $0xffff;
	_ =	sdelay $0x4  }
0x86: {  	(xrf0) =	vmin.scan.msk.f32 $0xffff, v27;
	_ =	sdelay $0x5  }
0x87: {  	v28, _, _ =	vpop (xrf0)  }
0x88: {  	(v2sf) =	vpush v28, $0xF;
	_ =	sdelay $0xb  }
0x89: {  	v25 =	vld.idx.msk [tilespmem:v25+s11+$0x0], $0xffff;
	_ =	sdelay $0x2  }
0x8a: {  	s31 =	spop (v2sf)  }
0x8b: {  	p0 =	slt.f32 s31, s20  }
0x8c: {  	v25 =	vshll.u32 v25, $0x7  }
0x8d: {  	v26 =	vadd.s32 @p0 v25, v26  }
0x8e: {  	(xrf1) =	vsort.dscd.msk.f32 @p0 $0xffff, v27, v26;
	_ =	sdelay $0xd  }
0x8f: {  	v26, v27, _ =	vpop @p0 (xrf1)  }
0x90: {  	vm1 =	vlt.f32 @p0 v26, v23  }
0x91: {  	v26 =	vsel @p0 vm1, v26, v23;
	v27 =	vsel @p0 vm1, v27, v22  }
0x92: {  	(xrf1) =	vsort.ascd.msk.f32 @p0 $0xffff, v26, v27;
	_ =	sdelay $0x2  }
0x93: {  	s21 =	simm.s32 $0x10  }
.LBB2_5:
0x94: {  	v26 =	vor.u32 s21, v1;
	s21 =	sadd.s32 $0x10, s21  }
0x95: {  	v27 =	vadd.s32 v24, v26;
	p1 =	sne.s32 s21, $0x80;
	_ =	sdelay $0x4  }
0x96: {  	v27 =	vld.idx.msk [tilespmem:v27+s13+$0x0], $0xffff;
	_ =	sdelay $0x3  }
0x97: {  	v28, v29, _ =	vpop @p0 (xrf1)  }
0x98: {  	v23 =	vpsel p0, v28, v23;
	v22 =	vpsel p0, v29, v22;
	(xrf0) =	vmax.scan.msk.f32 @p0 $0xffff, v28  }
0x99: {  	(xrf0) =	vmin.scan.msk.f32 $0xffff, v27;
	_ =	sdelay $0x4  }
0x9a: {  	v28, _, _ =	vpop @p0 (xrf0)  }
0x9b: {  	v29, _, _ =	vpop (xrf0);
	(v2sf) =	vpush @p0 v28, $0xF  }
0x9c: {  	(v2sf) =	vpush v29, $0xF;
	_ =	sdelay $0xd  }
0x9d: {  	s22 =	spop @p0 (v2sf)  }
0x9e: {  	s23 =	spop (v2sf);
	s20 =	smov.u32 @p0 s22  }
0x9f: {  	p0 =	slt.f32 s23, s20;
	_ =	sdelay $0x1  }
0xa0: {  	v26 =	vadd.s32 @p0 v25, v26  }
0xa1: {  	(xrf1) =	vsort.dscd.msk.f32 @p0 $0xffff, v27, v26;
	_ =	sdelay $0xc  }
.Ltmp7:
0xa2: {  	(pc) =	sbr.rel @p1 .LBB2_5-.Ltmp7, $4  }
0xa3: {  	v26, v27, _ =	vpop @p0 (xrf1)  }
0xa4: {  	vm1 =	vlt.f32 @p0 v26, v23  }
0xa5: {  	v26 =	vsel @p0 vm1, v26, v23;
	v27 =	vsel @p0 vm1, v27, v22  }
0xa6: {  	(xrf1) =	vsort.ascd.msk.f32 @p0 $0xffff, v26, v27  }
.Ltmp8:
0xa7: {  	_ = 	snop;
	(pc) =	sbr.rel .LBB2_6-.Ltmp8, $1  }
0xa8: {  	_ =	sdelay $0x3  }
.LBB2_10:
0xa9: {  	_ =	sfence.sel $0x180000  }
0xaa: {  	[bflag:$0x0] =	sbarrier.arrive $0xFFFF  }
0xab: {  	p0 =	sne.s32 s1, $0x0;
	_ =	strace $0x90000047  }
0xac: {  	s0 =	sadd.s32 @!p0 $0x100000, s0;
	[bflag:$0x2] =	sbarrier.arrive $0xFFFF  }
0xad: {  	[sflag:s0] =	ssyncadd.tile.s32 @!p0 $0x1;
	_ =	shalt  }
.Lfunc_end2:
_tile_overlayer_lowered:
.L_overlay_start_2:
0xae: {  	(tag) =	ssettag $0x2  }
0xaf: {  	s0 =	rddreg [dreg:$0x0];
	s2 =	stileid.u32  }
0xb0: {  	s1 =	rddreg [dreg:$0x1];
	p0 =	sne.s32 s2, $0x0  }
0xb1: {  	s3 =	rddreg [dreg:$0x2];
	[bflag:$0x3] =	sbarrier.arrive $0xFFFF;
	s2 =	simm.s32 @!p0 $0x1C02  }
0xb2: {  	[timem:s3], [sflag:s2] =	dma.local @!p0 [hbm:s0], s1  }
0xb3: {  	s0 =	simm.s32 @!p0 $0x2  }
0xb4: {  	_ =	swait.ge @!p0 [sflag:s0], s1  }
0xb5: {  	s1 =	ssub.s32 @!p0 $0x0, s1;
	[sflag:s0] =	ssyncset.done @!p0 $0x0  }
0xb6: {  	[sflag:s0] =	ssyncadd.s32 @!p0 s1  }
0xb7: {  	[bflag:$0x3] =	sbarrier.arrive $0xFFFF  }
0xb8: {  	_ =	shalt  }

</sc_bundles>
